<compile_context>
chip_gen: v7x
topology: tpu7x:2x2x1
jax: 0.10.2.dev20260603
libtpu: 0.0.44.dev20260713+nightly
codegen_flags: <defaults>
</compile_context>

<pallas_src>
import functools

import jax
import jax.numpy as jnp
from jax import lax
from jax.experimental import pallas as pl
from jax.experimental.pallas import tpu as pltpu
from jax.experimental.pallas import tpu_sc as plsc

N_NODES = 100000
N_EDGES = 1600000
N_EDGES_H = N_EDGES // 2
HIDDEN = 32
HALF = 16
SUB = 128
CH = 5
CHUNK = CH * SUB
N_CHUNKS = N_EDGES // CHUNK
N_TILES = 16
ROWS_PER_TILE = N_NODES // N_TILES
ZROWS = 250

_sc_mesh = plsc.VectorSubcoreMesh(core_axis_name="c", subcore_axis_name="s")


def _make_sc_scatter(col_base: int, with_init: bool):

    def body(refs):
        if with_init:
            (col_hbm, ea_hbm, init_hbm, out_hbm, acc, colv0, colv1, eav0,
             eav1, zb, sc0, sc1, se0, se1, st0, st1) = refs
        else:
            (col_hbm, ea_hbm, out_hbm, acc, colv0, colv1, eav0, eav1, zb,
             sc0, sc1, se0, se1, st0, st1) = refs
        c = lax.axis_index("c")
        s = lax.axis_index("s")
        c16 = c * HALF

        def _load(j, colv, eav, semc, seme):
            pltpu.async_copy(
                col_hbm.at[pl.ds(col_base // SUB + j * CH, CH)], colv, semc
            )
            pltpu.async_copy(
                ea_hbm.at[pl.ds(j * CHUNK, CHUNK), pl.ds(c16, HALF)], eav, seme
            )

        def _drain(j, colv, eav, semc, seme):
            pltpu.make_async_copy(
                col_hbm.at[pl.ds(col_base // SUB + j * CH, CH)], colv, semc
            ).wait()
            pltpu.make_async_copy(
                ea_hbm.at[pl.ds(j * CHUNK, CHUNK), pl.ds(c16, HALF)], eav, seme
            ).wait()

        def _scatter(colv, eav, sems):
            for k in range(CH):
                pltpu.async_copy(
                    eav.at[pl.ds(k * SUB, SUB)], acc.at[colv.at[k]], sems,
                    add=True,
                )

        def _scatter_drain(colv, eav, sems):
            for k in range(CH):
                pltpu.make_async_copy(
                    eav.at[pl.ds(k * SUB, SUB)], acc.at[colv.at[k]], sems
                ).wait()

        lo = s * N_CHUNKS // N_TILES
        hi = (s + 1) * N_CHUNKS // N_TILES
        n = hi - lo

        _load(lo, colv0, eav0, sc0, se0)

        @pl.when(n > 1)
        def _():
            _load(lo + 1, colv1, eav1, sc1, se1)

        row0 = s * ROWS_PER_TILE
        if with_init:
            pltpu.sync_copy(
                init_hbm.at[c, pl.ds(row0, ROWS_PER_TILE)],
                acc.at[pl.ds(row0, ROWS_PER_TILE)],
            )
        else:
            def _zero_row(i, _):
                zb[i, :] = jnp.zeros((HALF,), jnp.float32)
                return _

            lax.fori_loop(0, ZROWS, _zero_row, None, unroll=4)
            for k in range(ROWS_PER_TILE // ZROWS):
                pltpu.sync_copy(zb, acc.at[pl.ds(row0 + k * ZROWS, ZROWS)])
        plsc.subcore_barrier()

        def _pair(p, _):
            j0 = lo + 2 * p
            _drain(j0, colv0, eav0, sc0, se0)
            _scatter(colv0, eav0, st0)
            _drain(j0 + 1, colv1, eav1, sc1, se1)
            _scatter(colv1, eav1, st1)
            _scatter_drain(colv0, eav0, st0)

            @pl.when(j0 + 2 < hi)
            def _():
                _load(j0 + 2, colv0, eav0, sc0, se0)

            _scatter_drain(colv1, eav1, st1)

            @pl.when(j0 + 3 < hi)
            def _():
                _load(j0 + 3, colv1, eav1, sc1, se1)

            return _

        lax.fori_loop(0, n // 2, _pair, None)

        @pl.when(n % 2 == 1)
        def _():
            j = lo + (n // 2) * 2
            _drain(j, colv0, eav0, sc0, se0)
            _scatter(colv0, eav0, st0)
            _scatter_drain(colv0, eav0, st0)

        plsc.subcore_barrier()

        pltpu.sync_copy(
            acc.at[pl.ds(row0, ROWS_PER_TILE)],
            out_hbm.at[c, pl.ds(row0, ROWS_PER_TILE)],
        )

    def wrapped(*args):
        return body(args)

    return functools.partial(
        pl.kernel,
        out_type=jax.ShapeDtypeStruct((2, N_NODES, HALF), jnp.float32),
        mesh=_sc_mesh,
        scratch_types=[
            pltpu.VMEM_SHARED((N_NODES, HALF), jnp.float32),
            pltpu.VMEM((CH, SUB), jnp.int32),
            pltpu.VMEM((CH, SUB), jnp.int32),
            pltpu.VMEM((CHUNK, HALF), jnp.float32),
            pltpu.VMEM((CHUNK, HALF), jnp.float32),
            pltpu.VMEM((ZROWS, HALF), jnp.float32),
            pltpu.SemaphoreType.DMA,
            pltpu.SemaphoreType.DMA,
            pltpu.SemaphoreType.DMA,
            pltpu.SemaphoreType.DMA,
            pltpu.SemaphoreType.DMA,
            pltpu.SemaphoreType.DMA,
        ],
        compiler_params=pltpu.CompilerParams(use_tc_tiling_on_sc=False),
    )(wrapped)


_sc_scatter = _make_sc_scatter(col_base=0, with_init=False)


def _mlp_body(x_ref, agg_ref, w1_ref, b1_ref, w2_ref, b2_ref, o_ref):
    x = x_ref[...]
    a = jnp.concatenate([agg_ref[0], agg_ref[1]], axis=1)
    h = (
        jnp.dot(x, w1_ref[:128, :], preferred_element_type=jnp.float32)
        + jnp.dot(a, w1_ref[128:, :], preferred_element_type=jnp.float32)
        + b1_ref[...]
    )
    h = jnp.maximum(h, 0.0)
    o = jnp.dot(h, w2_ref[...], preferred_element_type=jnp.float32) + b2_ref[...]
    o_ref[...] = jnp.maximum(o, 0.0)


_MLP_R = 1000


def _mlp(x, agg2, W1, b1, W2, b2):
    return pl.pallas_call(
        _mlp_body,
        grid=(N_NODES // _MLP_R,),
        in_specs=[
            pl.BlockSpec((_MLP_R, 128), lambda i: (i, 0)),
            pl.BlockSpec((2, _MLP_R, HALF), lambda i: (0, i, 0)),
            pl.BlockSpec((160, 32), lambda i: (0, 0)),
            pl.BlockSpec((1, 32), lambda i: (0, 0)),
            pl.BlockSpec((32, 32), lambda i: (0, 0)),
            pl.BlockSpec((1, 32), lambda i: (0, 0)),
        ],
        out_specs=pl.BlockSpec((_MLP_R, 32), lambda i: (i, 0)),
        out_shape=jax.ShapeDtypeStruct((N_NODES, 32), jnp.float32),
    )(x, agg2, W1, b1, W2, b2)


def kernel(x, edge_index, edge_attr, u, batch, W1, b1, W2, b2):
    col = edge_index[1].astype(jnp.int32).reshape(N_EDGES // SUB, SUB)
    agg2 = _sc_scatter(col, edge_attr)
    return _mlp(x, agg2, W1, b1.reshape(1, 32), W2, b2.reshape(1, 32))

# --- scband reference (transcript-rebuilt; emitter-appended) ---
"""Pipeline reference for scband-node-model-7584912245435 (READ-ONLY COPY).

The authoritative reference and input builder live on the scoring server;
editing this copy changes nothing except your own understanding.
"""

import jax, jax.numpy as jnp
import numpy as np

N_NODES = 100000
N_EDGES = 1600000
NODE_IN_DIM = 128
HIDDEN_DIM = 32
NUM_GRAPHS = 16
U_DIM = 64


def setup_inputs(seed: int = 0) -> dict:
    key = jax.random.key(seed)
    ks = jax.random.split(key, 10)
    x = jax.random.normal(ks[0], (N_NODES, NODE_IN_DIM), dtype=jnp.float32)
    edge_index = jax.random.randint(ks[1], (2, N_EDGES), 0, N_NODES, dtype=jnp.int64)
    edge_attr = jax.random.normal(ks[2], (N_EDGES, HIDDEN_DIM), dtype=jnp.float32)
    u = jax.random.normal(ks[3], (NUM_GRAPHS, U_DIM), dtype=jnp.float32)
    batch = jnp.sort(jax.random.randint(ks[4], (N_NODES,), 0, NUM_GRAPHS, dtype=jnp.int64))
    # MLP params: Linear(node_in_dim + hidden_dim -> hidden_dim), Linear(hidden_dim -> hidden_dim)
    in1 = NODE_IN_DIM + HIDDEN_DIM
    lim1 = 1.0 / np.sqrt(in1)
    W1 = jax.random.uniform(ks[5], (in1, HIDDEN_DIM), dtype=jnp.float32, minval=-lim1, maxval=lim1)
    b1 = jax.random.uniform(ks[6], (HIDDEN_DIM,), dtype=jnp.float32, minval=-lim1, maxval=lim1)
    lim2 = 1.0 / np.sqrt(HIDDEN_DIM)
    W2 = jax.random.uniform(ks[7], (HIDDEN_DIM, HIDDEN_DIM), dtype=jnp.float32, minval=-lim2, maxval=lim2)
    b2 = jax.random.uniform(ks[8], (HIDDEN_DIM,), dtype=jnp.float32, minval=-lim2, maxval=lim2)
    return {"x": x, "edge_index": edge_index, "edge_attr": edge_attr, "u": u, "batch": batch,
            "W1": W1, "b1": b1, "W2": W2, "b2": b2}


def reference(x, edge_index, edge_attr, u, batch, W1, b1, W2, b2):
    # _, col = edge_index
    col = edge_index[1]
    # scatter_sum(edge_attr, col, dim=0, dim_size=x.size(0))
    agg = jax.ops.segment_sum(edge_attr, col, num_segments=x.shape[0])
    out = jnp.concatenate([x, agg], axis=1)
    h = jax.nn.relu(out @ W1 + b1)
    h = jax.nn.relu(h @ W2 + b2)
    return h

if __name__ == "__main__":
    import jax
    _d = setup_inputs()
    print(jax.jit(kernel)(*tuple(_d.values())))

</pallas_src>

<mosaic_0001>
#map = affine_map<(d0, d1) -> (0, 0)>
#map1 = affine_map<(d0, d1) -> (0, 0, 0)>
module attributes {stable_mosaic.version = 14 : i64} {
  func.func @wrapped(%arg0: i32, %arg1: i32, %arg2: memref<12500x128xi32, #tpu.memory_space<hbm>>, %arg3: memref<1600000x32xf32, #tpu.memory_space<hbm>>, %arg4: memref<2x100000x16xf32, #tpu.memory_space<hbm>>, %arg5: memref<100000x16xf32, #tpu.memory_space<vmem_shared>>, %arg6: memref<5x128xi32, #tpu.memory_space<vmem>>, %arg7: memref<5x128xi32, #tpu.memory_space<vmem>>, %arg8: memref<640x16xf32, #tpu.memory_space<vmem>>, %arg9: memref<640x16xf32, #tpu.memory_space<vmem>>, %arg10: memref<250x16xf32, #tpu.memory_space<vmem>>, %arg11: memref<!tpu.dma_semaphore, #tpu.memory_space<semaphore_mem>>, %arg12: memref<!tpu.dma_semaphore, #tpu.memory_space<semaphore_mem>>, %arg13: memref<!tpu.dma_semaphore, #tpu.memory_space<semaphore_mem>>, %arg14: memref<!tpu.dma_semaphore, #tpu.memory_space<semaphore_mem>>, %arg15: memref<!tpu.dma_semaphore, #tpu.memory_space<semaphore_mem>>, %arg16: memref<!tpu.dma_semaphore, #tpu.memory_space<semaphore_mem>>) attributes {dimension_semantics = [#tpu.dimension_semantics<core_parallel>, #tpu.dimension_semantics<subcore_parallel>], iteration_bounds = array<i64: 2, 16>, scalar_prefetch = 0 : i64, scratch_operands = 12 : i64, tpu.core_type = #tpu.core_type<sc_vector_subcore>, window_params = [{transform_indices = #map}, {transform_indices = #map}, {transform_indices = #map1}]} {
    %mul3A = arith.constant 16 : i32
    %mul3A_0 = arith.muli %arg0, %mul3A : i32
    %mul3A_1 = arith.constant 2500 : i32
    %mul3A_2 = arith.muli %arg1, %mul3A_1 : i32
    %jit3A = arith.constant 16 : i32
    %div3A = arith.divsi %mul3A_2, %jit3A : i32
    %sign3A = arith.constant 0 : i32
    %sign3A_3 = arith.cmpi sgt, %mul3A_2, %sign3A : i32
    %sign3A_4 = arith.extui %sign3A_3 : i1 to i32
    %sign3A_5 = arith.constant 0 : i32
    %sign3A_6 = arith.cmpi slt, %mul3A_2, %sign3A_5 : i32
    %sign3A_7 = arith.extui %sign3A_6 : i1 to i32
    %sign3A_8 = arith.subi %sign3A_4, %sign3A_7 : i32
    %sign3A_9 = arith.constant 0 : i32
    %sign3A_10 = arith.cmpi sgt, %jit3A, %sign3A_9 : i32
    %sign3A_11 = arith.extui %sign3A_10 : i1 to i32
    %sign3A_12 = arith.constant 0 : i32
    %sign3A_13 = arith.cmpi slt, %jit3A, %sign3A_12 : i32
    %sign3A_14 = arith.extui %sign3A_13 : i1 to i32
    %sign3A_15 = arith.subi %sign3A_11, %sign3A_14 : i32
    %ne3A = arith.cmpi ne, %sign3A_8, %sign3A_15 : i32
    %rem3A = arith.remsi %mul3A_2, %jit3A : i32
    %ne3A_16 = arith.constant 0 : i32
    %ne3A_17 = arith.cmpi ne, %rem3A, %ne3A_16 : i32
    %and3A = arith.andi %ne3A, %ne3A_17 : i1
    %sub3A = arith.constant 1 : i32
    %sub3A_18 = arith.subi %div3A, %sub3A : i32
    %select_n3A = arith.select %and3A, %sub3A_18, %div3A : i32
    %add3A = arith.constant 1 : i32
    %add3A_19 = arith.addi %arg1, %add3A : i32
    %mul3A_20 = arith.constant 2500 : i32
    %mul3A_21 = arith.muli %add3A_19, %mul3A_20 : i32
    %jit3A_22 = arith.constant 16 : i32
    %div3A_23 = arith.divsi %mul3A_21, %jit3A_22 : i32
    %sign3A_24 = arith.constant 0 : i32
    %sign3A_25 = arith.cmpi sgt, %mul3A_21, %sign3A_24 : i32
    %sign3A_26 = arith.extui %sign3A_25 : i1 to i32
    %sign3A_27 = arith.constant 0 : i32
    %sign3A_28 = arith.cmpi slt, %mul3A_21, %sign3A_27 : i32
    %sign3A_29 = arith.extui %sign3A_28 : i1 to i32
    %sign3A_30 = arith.subi %sign3A_26, %sign3A_29 : i32
    %sign3A_31 = arith.constant 0 : i32
    %sign3A_32 = arith.cmpi sgt, %jit3A_22, %sign3A_31 : i32
    %sign3A_33 = arith.extui %sign3A_32 : i1 to i32
    %sign3A_34 = arith.constant 0 : i32
    %sign3A_35 = arith.cmpi slt, %jit3A_22, %sign3A_34 : i32
    %sign3A_36 = arith.extui %sign3A_35 : i1 to i32
    %sign3A_37 = arith.subi %sign3A_33, %sign3A_36 : i32
    %ne3A_38 = arith.cmpi ne, %sign3A_30, %sign3A_37 : i32
    %rem3A_39 = arith.remsi %mul3A_21, %jit3A_22 : i32
    %ne3A_40 = arith.constant 0 : i32
    %ne3A_41 = arith.cmpi ne, %rem3A_39, %ne3A_40 : i32
    %and3A_42 = arith.andi %ne3A_38, %ne3A_41 : i1
    %sub3A_43 = arith.constant 1 : i32
    %sub3A_44 = arith.subi %div3A_23, %sub3A_43 : i32
    %select_n3A_45 = arith.select %and3A_42, %sub3A_44, %div3A_23 : i32
    %sub3A_46 = arith.subi %select_n3A_45, %select_n3A : i32
    %mul3A_47 = arith.constant 5 : i32
    %mul3A_48 = arith.muli %select_n3A, %mul3A_47 : i32
    %add3A_49 = arith.constant 0 : i32
    %add3A_50 = arith.addi %add3A_49, %mul3A_48 : i32
    %dma_start3A = arith.constant 0 : i32
    %dma_start3A_51 = tpu.memref_slice %arg2[%add3A_50, %dma_start3A] : memref<12500x128xi32, #tpu.memory_space<hbm>> -> memref<5x128xi32, #tpu.memory_space<hbm>>
    %dma_start3A_52 = arith.constant 0 : i32
    %dma_start3A_53 = tpu.memref_slice %arg2[%add3A_50, %dma_start3A_52] : memref<12500x128xi32, #tpu.memory_space<hbm>> -> memref<5x128xi32, #tpu.memory_space<hbm>>
    tpu.enqueue_dma source(%dma_start3A_53 : memref<5x128xi32, #tpu.memory_space<hbm>>) target(%arg6 : memref<5x128xi32, #tpu.memory_space<vmem>>) target_semaphore(%arg11 : memref<!tpu.dma_semaphore, #tpu.memory_space<semaphore_mem>>)
    %mul3A_54 = arith.constant 640 : i32
    %mul3A_55 = arith.muli %select_n3A, %mul3A_54 : i32
    %dma_start3A_56 = tpu.memref_slice %arg3[%mul3A_55, %mul3A_0] : memref<1600000x32xf32, #tpu.memory_space<hbm>> -> memref<640x16xf32, #tpu.memory_space<hbm>>
    %dma_start3A_57 = tpu.memref_slice %arg3[%mul3A_55, %mul3A_0] : memref<1600000x32xf32, #tpu.memory_space<hbm>> -> memref<640x16xf32, #tpu.memory_space<hbm>>
    tpu.enqueue_dma source(%dma_start3A_57 : memref<640x16xf32, #tpu.memory_space<hbm>>) target(%arg8 : memref<640x16xf32, #tpu.memory_space<vmem>>) target_semaphore(%arg13 : memref<!tpu.dma_semaphore, #tpu.memory_space<semaphore_mem>>)
    %gt3A = arith.constant 1 : i32
    %gt3A_58 = arith.cmpi sgt, %sub3A_46, %gt3A : i32
    %convert_element_type3A = arith.extui %gt3A_58 : i1 to i32
    %cond3A = arith.constant 0 : i32
    %cond3A_59 = arith.cmpi ne, %convert_element_type3A, %cond3A : i32
    scf.if %cond3A_59 {
      %add3A_184 = arith.constant 1 : i32
      %add3A_185 = arith.addi %select_n3A, %add3A_184 : i32
      %mul3A_186 = arith.constant 5 : i32
      %mul3A_187 = arith.muli %add3A_185, %mul3A_186 : i32
      %add3A_188 = arith.constant 0 : i32
      %add3A_189 = arith.addi %add3A_188, %mul3A_187 : i32
      %dma_start3A_190 = arith.constant 0 : i32
      %dma_start3A_191 = tpu.memref_slice %arg2[%add3A_189, %dma_start3A_190] : memref<12500x128xi32, #tpu.memory_space<hbm>> -> memref<5x128xi32, #tpu.memory_space<hbm>>
      %dma_start3A_192 = arith.constant 0 : i32
      %dma_start3A_193 = tpu.memref_slice %arg2[%add3A_189, %dma_start3A_192] : memref<12500x128xi32, #tpu.memory_space<hbm>> -> memref<5x128xi32, #tpu.memory_space<hbm>>
      tpu.enqueue_dma source(%dma_start3A_193 : memref<5x128xi32, #tpu.memory_space<hbm>>) target(%arg7 : memref<5x128xi32, #tpu.memory_space<vmem>>) target_semaphore(%arg12 : memref<!tpu.dma_semaphore, #tpu.memory_space<semaphore_mem>>)
      %mul3A_194 = arith.constant 640 : i32
      %mul3A_195 = arith.muli %add3A_185, %mul3A_194 : i32
      %dma_start3A_196 = tpu.memref_slice %arg3[%mul3A_195, %mul3A_0] : memref<1600000x32xf32, #tpu.memory_space<hbm>> -> memref<640x16xf32, #tpu.memory_space<hbm>>
      %dma_start3A_197 = tpu.memref_slice %arg3[%mul3A_195, %mul3A_0] : memref<1600000x32xf32, #tpu.memory_space<hbm>> -> memref<640x16xf32, #tpu.memory_space<hbm>>
      tpu.enqueue_dma source(%dma_start3A_197 : memref<640x16xf32, #tpu.memory_space<hbm>>) target(%arg9 : memref<640x16xf32, #tpu.memory_space<vmem>>) target_semaphore(%arg14 : memref<!tpu.dma_semaphore, #tpu.memory_space<semaphore_mem>>)
    } else {
    }
    %mul3A_60 = arith.constant 6250 : i32
    %mul3A_61 = arith.muli %arg1, %mul3A_60 : i32
    %scan3A = arith.constant 0 : i32
    %scan3A_62 = arith.constant 248 : i32
    %scan3A_63 = arith.addi %scan3A, %scan3A_62 : i32
    %scan3A_64 = arith.constant 4 : i32
    scf.for %scan3A_184 = %scan3A to %scan3A_63 step %scan3A_64  : i32 {
      %broadcast_in_dim3A_185 = arith.constant 0.000000e+00 : f32
      %broadcast_in_dim3A_186 = vector.broadcast %broadcast_in_dim3A_185 : f32 to vector<16xf32>
      %swap3A_187 = arith.index_cast %scan3A_184 : i32 to index
      %swap3A_188 = arith.constant 0 : index
      %swap3A_189 = tpu.vector_load %arg10[%swap3A_187, %swap3A_188] {strides = array<i32>} : memref<250x16xf32, #tpu.memory_space<vmem>>, vector<1x16xf32>,
      %swap3A_190 = vector.shape_cast %swap3A_189 : vector<1x16xf32> to vector<16xf32>
      %swap3A_191 = vector.shape_cast %broadcast_in_dim3A_186 : vector<16xf32> to vector<1x16xf32>
      tpu.vector_store %arg10[%swap3A_187, %swap3A_188], %swap3A_191 {strides = array<i32>} : memref<250x16xf32, #tpu.memory_space<vmem>>, vector<1x16xf32>,
      %scan3A_192 = arith.constant 1 : i32
      %scan3A_193 = arith.addi %scan3A_184, %scan3A_192 : i32
      %broadcast_in_dim3A_194 = arith.constant 0.000000e+00 : f32
      %broadcast_in_dim3A_195 = vector.broadcast %broadcast_in_dim3A_194 : f32 to vector<16xf32>
      %swap3A_196 = arith.index_cast %scan3A_193 : i32 to index
      %swap3A_197 = arith.constant 0 : index
      %swap3A_198 = tpu.vector_load %arg10[%swap3A_196, %swap3A_197] {strides = array<i32>} : memref<250x16xf32, #tpu.memory_space<vmem>>, vector<1x16xf32>,
      %swap3A_199 = vector.shape_cast %swap3A_198 : vector<1x16xf32> to vector<16xf32>
      %swap3A_200 = vector.shape_cast %broadcast_in_dim3A_195 : vector<16xf32> to vector<1x16xf32>
      tpu.vector_store %arg10[%swap3A_196, %swap3A_197], %swap3A_200 {strides = array<i32>} : memref<250x16xf32, #tpu.memory_space<vmem>>, vector<1x16xf32>,
      %scan3A_201 = arith.constant 2 : i32
      %scan3A_202 = arith.addi %scan3A_184, %scan3A_201 : i32
      %broadcast_in_dim3A_203 = arith.constant 0.000000e+00 : f32
      %broadcast_in_dim3A_204 = vector.broadcast %broadcast_in_dim3A_203 : f32 to vector<16xf32>
      %swap3A_205 = arith.index_cast %scan3A_202 : i32 to index
      %swap3A_206 = arith.constant 0 : index
      %swap3A_207 = tpu.vector_load %arg10[%swap3A_205, %swap3A_206] {strides = array<i32>} : memref<250x16xf32, #tpu.memory_space<vmem>>, vector<1x16xf32>,
      %swap3A_208 = vector.shape_cast %swap3A_207 : vector<1x16xf32> to vector<16xf32>
      %swap3A_209 = vector.shape_cast %broadcast_in_dim3A_204 : vector<16xf32> to vector<1x16xf32>
      tpu.vector_store %arg10[%swap3A_205, %swap3A_206], %swap3A_209 {strides = array<i32>} : memref<250x16xf32, #tpu.memory_space<vmem>>, vector<1x16xf32>,
      %scan3A_210 = arith.constant 3 : i32
      %scan3A_211 = arith.addi %scan3A_184, %scan3A_210 : i32
      %broadcast_in_dim3A_212 = arith.constant 0.000000e+00 : f32
      %broadcast_in_dim3A_213 = vector.broadcast %broadcast_in_dim3A_212 : f32 to vector<16xf32>
      %swap3A_214 = arith.index_cast %scan3A_211 : i32 to index
      %swap3A_215 = arith.constant 0 : index
      %swap3A_216 = tpu.vector_load %arg10[%swap3A_214, %swap3A_215] {strides = array<i32>} : memref<250x16xf32, #tpu.memory_space<vmem>>, vector<1x16xf32>,
      %swap3A_217 = vector.shape_cast %swap3A_216 : vector<1x16xf32> to vector<16xf32>
      %swap3A_218 = vector.shape_cast %broadcast_in_dim3A_213 : vector<16xf32> to vector<1x16xf32>
      tpu.vector_store %arg10[%swap3A_214, %swap3A_215], %swap3A_218 {strides = array<i32>} : memref<250x16xf32, #tpu.memory_space<vmem>>, vector<1x16xf32>,
    }
    %scan3A_65 = arith.constant 248 : i32
    %scan3A_66 = arith.addi %scan3A, %scan3A_65 : i32
    %broadcast_in_dim3A = arith.constant 0.000000e+00 : f32
    %broadcast_in_dim3A_67 = vector.broadcast %broadcast_in_dim3A : f32 to vector<16xf32>
    %swap3A = arith.index_cast %scan3A_66 : i32 to index
    %swap3A_68 = arith.constant 0 : index
    %swap3A_69 = tpu.vector_load %arg10[%swap3A, %swap3A_68] {strides = array<i32>} : memref<250x16xf32, #tpu.memory_space<vmem>>, vector<1x16xf32>,
    %swap3A_70 = vector.shape_cast %swap3A_69 : vector<1x16xf32> to vector<16xf32>
    %swap3A_71 = vector.shape_cast %broadcast_in_dim3A_67 : vector<16xf32> to vector<1x16xf32>
    tpu.vector_store %arg10[%swap3A, %swap3A_68], %swap3A_71 {strides = array<i32>} : memref<250x16xf32, #tpu.memory_space<vmem>>, vector<1x16xf32>,
    %scan3A_72 = arith.constant 249 : i32
    %scan3A_73 = arith.addi %scan3A, %scan3A_72 : i32
    %broadcast_in_dim3A_74 = arith.constant 0.000000e+00 : f32
    %broadcast_in_dim3A_75 = vector.broadcast %broadcast_in_dim3A_74 : f32 to vector<16xf32>
    %swap3A_76 = arith.index_cast %scan3A_73 : i32 to index
    %swap3A_77 = arith.constant 0 : index
    %swap3A_78 = tpu.vector_load %arg10[%swap3A_76, %swap3A_77] {strides = array<i32>} : memref<250x16xf32, #tpu.memory_space<vmem>>, vector<1x16xf32>,
    %swap3A_79 = vector.shape_cast %swap3A_78 : vector<1x16xf32> to vector<16xf32>
    %swap3A_80 = vector.shape_cast %broadcast_in_dim3A_75 : vector<16xf32> to vector<1x16xf32>
    tpu.vector_store %arg10[%swap3A_76, %swap3A_77], %swap3A_80 {strides = array<i32>} : memref<250x16xf32, #tpu.memory_space<vmem>>, vector<1x16xf32>,
    %scan3A_81 = arith.constant 250 : i32
    %add3A_82 = arith.constant 0 : i32
    %add3A_83 = arith.addi %mul3A_61, %add3A_82 : i32
    "tpu.region"() ({
      %run_scoped3A = tpu.sem_alloc : memref<!tpu.dma_semaphore, #tpu.memory_space<semaphore_mem>>
      %dma_start3A_184 = arith.constant 0 : i32
      %dma_start3A_185 = tpu.memref_slice %arg5[%add3A_83, %dma_start3A_184] : memref<100000x16xf32, #tpu.memory_space<vmem_shared>> -> memref<250x16xf32, #tpu.memory_space<vmem_shared>>
      %dma_start3A_186 = arith.constant 0 : i32
      %dma_start3A_187 = tpu.memref_slice %arg5[%add3A_83, %dma_start3A_186] : memref<100000x16xf32, #tpu.memory_space<vmem_shared>> -> memref<250x16xf32, #tpu.memory_space<vmem_shared>>
      tpu.enqueue_dma source(%arg10 : memref<250x16xf32, #tpu.memory_space<vmem>>) target(%dma_start3A_187 : memref<250x16xf32, #tpu.memory_space<vmem_shared>>) target_semaphore(%run_scoped3A : memref<!tpu.dma_semaphore, #tpu.memory_space<semaphore_mem>>)
      %dma_wait3A = arith.constant 0 : i32
      %dma_wait3A_188 = tpu.memref_slice %arg5[%add3A_83, %dma_wait3A] : memref<100000x16xf32, #tpu.memory_space<vmem_shared>> -> memref<250x16xf32, #tpu.memory_space<vmem_shared>>
      %dma_wait3A_189 = arith.constant 0 : i32
      %dma_wait3A_190 = tpu.memref_slice %arg5[%add3A_83, %dma_wait3A_189] : memref<100000x16xf32, #tpu.memory_space<vmem_shared>> -> memref<250x16xf32, #tpu.memory_space<vmem_shared>>
      tpu.wait_dma2 semaphore(%run_scoped3A : memref<!tpu.dma_semaphore, #tpu.memory_space<semaphore_mem>>) src(%arg10 : memref<250x16xf32, #tpu.memory_space<vmem>>) dst(%dma_wait3A_190 : memref<250x16xf32, #tpu.memory_space<vmem_shared>>)
      tpu.yield
    }) : () -> ()
    %add3A_84 = arith.constant 250 : i32
    %add3A_85 = arith.addi %mul3A_61, %add3A_84 : i32
    "tpu.region"() ({
      %run_scoped3A = tpu.sem_alloc : memref<!tpu.dma_semaphore, #tpu.memory_space<semaphore_mem>>
      %dma_start3A_184 = arith.constant 0 : i32
      %dma_start3A_185 = tpu.memref_slice %arg5[%add3A_85, %dma_start3A_184] : memref<100000x16xf32, #tpu.memory_space<vmem_shared>> -> memref<250x16xf32, #tpu.memory_space<vmem_shared>>
      %dma_start3A_186 = arith.constant 0 : i32
      %dma_start3A_187 = tpu.memref_slice %arg5[%add3A_85, %dma_start3A_186] : memref<100000x16xf32, #tpu.memory_space<vmem_shared>> -> memref<250x16xf32, #tpu.memory_space<vmem_shared>>
      tpu.enqueue_dma source(%arg10 : memref<250x16xf32, #tpu.memory_space<vmem>>) target(%dma_start3A_187 : memref<250x16xf32, #tpu.memory_space<vmem_shared>>) target_semaphore(%run_scoped3A : memref<!tpu.dma_semaphore, #tpu.memory_space<semaphore_mem>>)
      %dma_wait3A = arith.constant 0 : i32
      %dma_wait3A_188 = tpu.memref_slice %arg5[%add3A_85, %dma_wait3A] : memref<100000x16xf32, #tpu.memory_space<vmem_shared>> -> memref<250x16xf32, #tpu.memory_space<vmem_shared>>
      %dma_wait3A_189 = arith.constant 0 : i32
      %dma_wait3A_190 = tpu.memref_slice %arg5[%add3A_85, %dma_wait3A_189] : memref<100000x16xf32, #tpu.memory_space<vmem_shared>> -> memref<250x16xf32, #tpu.memory_space<vmem_shared>>
      tpu.wait_dma2 semaphore(%run_scoped3A : memref<!tpu.dma_semaphore, #tpu.memory_space<semaphore_mem>>) src(%arg10 : memref<250x16xf32, #tpu.memory_space<vmem>>) dst(%dma_wait3A_190 : memref<250x16xf32, #tpu.memory_space<vmem_shared>>)
      tpu.yield
    }) : () -> ()
    %add3A_86 = arith.constant 500 : i32
    %add3A_87 = arith.addi %mul3A_61, %add3A_86 : i32
    "tpu.region"() ({
      %run_scoped3A = tpu.sem_alloc : memref<!tpu.dma_semaphore, #tpu.memory_space<semaphore_mem>>
      %dma_start3A_184 = arith.constant 0 : i32
      %dma_start3A_185 = tpu.memref_slice %arg5[%add3A_87, %dma_start3A_184] : memref<100000x16xf32, #tpu.memory_space<vmem_shared>> -> memref<250x16xf32, #tpu.memory_space<vmem_shared>>
      %dma_start3A_186 = arith.constant 0 : i32
      %dma_start3A_187 = tpu.memref_slice %arg5[%add3A_87, %dma_start3A_186] : memref<100000x16xf32, #tpu.memory_space<vmem_shared>> -> memref<250x16xf32, #tpu.memory_space<vmem_shared>>
      tpu.enqueue_dma source(%arg10 : memref<250x16xf32, #tpu.memory_space<vmem>>) target(%dma_start3A_187 : memref<250x16xf32, #tpu.memory_space<vmem_shared>>) target_semaphore(%run_scoped3A : memref<!tpu.dma_semaphore, #tpu.memory_space<semaphore_mem>>)
      %dma_wait3A = arith.constant 0 : i32
      %dma_wait3A_188 = tpu.memref_slice %arg5[%add3A_87, %dma_wait3A] : memref<100000x16xf32, #tpu.memory_space<vmem_shared>> -> memref<250x16xf32, #tpu.memory_space<vmem_shared>>
      %dma_wait3A_189 = arith.constant 0 : i32
      %dma_wait3A_190 = tpu.memref_slice %arg5[%add3A_87, %dma_wait3A_189] : memref<100000x16xf32, #tpu.memory_space<vmem_shared>> -> memref<250x16xf32, #tpu.memory_space<vmem_shared>>
      tpu.wait_dma2 semaphore(%run_scoped3A : memref<!tpu.dma_semaphore, #tpu.memory_space<semaphore_mem>>) src(%arg10 : memref<250x16xf32, #tpu.memory_space<vmem>>) dst(%dma_wait3A_190 : memref<250x16xf32, #tpu.memory_space<vmem_shared>>)
      tpu.yield
    }) : () -> ()
    %add3A_88 = arith.constant 750 : i32
    %add3A_89 = arith.addi %mul3A_61, %add3A_88 : i32
    "tpu.region"() ({
      %run_scoped3A = tpu.sem_alloc : memref<!tpu.dma_semaphore, #tpu.memory_space<semaphore_mem>>
      %dma_start3A_184 = arith.constant 0 : i32
      %dma_start3A_185 = tpu.memref_slice %arg5[%add3A_89, %dma_start3A_184] : memref<100000x16xf32, #tpu.memory_space<vmem_shared>> -> memref<250x16xf32, #tpu.memory_space<vmem_shared>>
      %dma_start3A_186 = arith.constant 0 : i32
      %dma_start3A_187 = tpu.memref_slice %arg5[%add3A_89, %dma_start3A_186] : memref<100000x16xf32, #tpu.memory_space<vmem_shared>> -> memref<250x16xf32, #tpu.memory_space<vmem_shared>>
      tpu.enqueue_dma source(%arg10 : memref<250x16xf32, #tpu.memory_space<vmem>>) target(%dma_start3A_187 : memref<250x16xf32, #tpu.memory_space<vmem_shared>>) target_semaphore(%run_scoped3A : memref<!tpu.dma_semaphore, #tpu.memory_space<semaphore_mem>>)
      %dma_wait3A = arith.constant 0 : i32
      %dma_wait3A_188 = tpu.memref_slice %arg5[%add3A_89, %dma_wait3A] : memref<100000x16xf32, #tpu.memory_space<vmem_shared>> -> memref<250x16xf32, #tpu.memory_space<vmem_shared>>
      %dma_wait3A_189 = arith.constant 0 : i32
      %dma_wait3A_190 = tpu.memref_slice %arg5[%add3A_89, %dma_wait3A_189] : memref<100000x16xf32, #tpu.memory_space<vmem_shared>> -> memref<250x16xf32, #tpu.memory_space<vmem_shared>>
      tpu.wait_dma2 semaphore(%run_scoped3A : memref<!tpu.dma_semaphore, #tpu.memory_space<semaphore_mem>>) src(%arg10 : memref<250x16xf32, #tpu.memory_space<vmem>>) dst(%dma_wait3A_190 : memref<250x16xf32, #tpu.memory_space<vmem_shared>>)
      tpu.yield
    }) : () -> ()
    %add3A_90 = arith.constant 1000 : i32
    %add3A_91 = arith.addi %mul3A_61, %add3A_90 : i32
    "tpu.region"() ({
      %run_scoped3A = tpu.sem_alloc : memref<!tpu.dma_semaphore, #tpu.memory_space<semaphore_mem>>
      %dma_start3A_184 = arith.constant 0 : i32
      %dma_start3A_185 = tpu.memref_slice %arg5[%add3A_91, %dma_start3A_184] : memref<100000x16xf32, #tpu.memory_space<vmem_shared>> -> memref<250x16xf32, #tpu.memory_space<vmem_shared>>
      %dma_start3A_186 = arith.constant 0 : i32
      %dma_start3A_187 = tpu.memref_slice %arg5[%add3A_91, %dma_start3A_186] : memref<100000x16xf32, #tpu.memory_space<vmem_shared>> -> memref<250x16xf32, #tpu.memory_space<vmem_shared>>
      tpu.enqueue_dma source(%arg10 : memref<250x16xf32, #tpu.memory_space<vmem>>) target(%dma_start3A_187 : memref<250x16xf32, #tpu.memory_space<vmem_shared>>) target_semaphore(%run_scoped3A : memref<!tpu.dma_semaphore, #tpu.memory_space<semaphore_mem>>)
      %dma_wait3A = arith.constant 0 : i32
      %dma_wait3A_188 = tpu.memref_slice %arg5[%add3A_91, %dma_wait3A] : memref<100000x16xf32, #tpu.memory_space<vmem_shared>> -> memref<250x16xf32, #tpu.memory_space<vmem_shared>>
      %dma_wait3A_189 = arith.constant 0 : i32
      %dma_wait3A_190 = tpu.memref_slice %arg5[%add3A_91, %dma_wait3A_189] : memref<100000x16xf32, #tpu.memory_space<vmem_shared>> -> memref<250x16xf32, #tpu.memory_space<vmem_shared>>
      tpu.wait_dma2 semaphore(%run_scoped3A : memref<!tpu.dma_semaphore, #tpu.memory_space<semaphore_mem>>) src(%arg10 : memref<250x16xf32, #tpu.memory_space<vmem>>) dst(%dma_wait3A_190 : memref<250x16xf32, #tpu.memory_space<vmem_shared>>)
      tpu.yield
    }) : () -> ()
    %add3A_92 = arith.constant 1250 : i32
    %add3A_93 = arith.addi %mul3A_61, %add3A_92 : i32
    "tpu.region"() ({
      %run_scoped3A = tpu.sem_alloc : memref<!tpu.dma_semaphore, #tpu.memory_space<semaphore_mem>>
      %dma_start3A_184 = arith.constant 0 : i32
      %dma_start3A_185 = tpu.memref_slice %arg5[%add3A_93, %dma_start3A_184] : memref<100000x16xf32, #tpu.memory_space<vmem_shared>> -> memref<250x16xf32, #tpu.memory_space<vmem_shared>>
      %dma_start3A_186 = arith.constant 0 : i32
      %dma_start3A_187 = tpu.memref_slice %arg5[%add3A_93, %dma_start3A_186] : memref<100000x16xf32, #tpu.memory_space<vmem_shared>> -> memref<250x16xf32, #tpu.memory_space<vmem_shared>>
      tpu.enqueue_dma source(%arg10 : memref<250x16xf32, #tpu.memory_space<vmem>>) target(%dma_start3A_187 : memref<250x16xf32, #tpu.memory_space<vmem_shared>>) target_semaphore(%run_scoped3A : memref<!tpu.dma_semaphore, #tpu.memory_space<semaphore_mem>>)
      %dma_wait3A = arith.constant 0 : i32
      %dma_wait3A_188 = tpu.memref_slice %arg5[%add3A_93, %dma_wait3A] : memref<100000x16xf32, #tpu.memory_space<vmem_shared>> -> memref<250x16xf32, #tpu.memory_space<vmem_shared>>
      %dma_wait3A_189 = arith.constant 0 : i32
      %dma_wait3A_190 = tpu.memref_slice %arg5[%add3A_93, %dma_wait3A_189] : memref<100000x16xf32, #tpu.memory_space<vmem_shared>> -> memref<250x16xf32, #tpu.memory_space<vmem_shared>>
      tpu.wait_dma2 semaphore(%run_scoped3A : memref<!tpu.dma_semaphore, #tpu.memory_space<semaphore_mem>>) src(%arg10 : memref<250x16xf32, #tpu.memory_space<vmem>>) dst(%dma_wait3A_190 : memref<250x16xf32, #tpu.memory_space<vmem_shared>>)
      tpu.yield
    }) : () -> ()
    %add3A_94 = arith.constant 1500 : i32
    %add3A_95 = arith.addi %mul3A_61, %add3A_94 : i32
    "tpu.region"() ({
      %run_scoped3A = tpu.sem_alloc : memref<!tpu.dma_semaphore, #tpu.memory_space<semaphore_mem>>
      %dma_start3A_184 = arith.constant 0 : i32
      %dma_start3A_185 = tpu.memref_slice %arg5[%add3A_95, %dma_start3A_184] : memref<100000x16xf32, #tpu.memory_space<vmem_shared>> -> memref<250x16xf32, #tpu.memory_space<vmem_shared>>
      %dma_start3A_186 = arith.constant 0 : i32
      %dma_start3A_187 = tpu.memref_slice %arg5[%add3A_95, %dma_start3A_186] : memref<100000x16xf32, #tpu.memory_space<vmem_shared>> -> memref<250x16xf32, #tpu.memory_space<vmem_shared>>
      tpu.enqueue_dma source(%arg10 : memref<250x16xf32, #tpu.memory_space<vmem>>) target(%dma_start3A_187 : memref<250x16xf32, #tpu.memory_space<vmem_shared>>) target_semaphore(%run_scoped3A : memref<!tpu.dma_semaphore, #tpu.memory_space<semaphore_mem>>)
      %dma_wait3A = arith.constant 0 : i32
      %dma_wait3A_188 = tpu.memref_slice %arg5[%add3A_95, %dma_wait3A] : memref<100000x16xf32, #tpu.memory_space<vmem_shared>> -> memref<250x16xf32, #tpu.memory_space<vmem_shared>>
      %dma_wait3A_189 = arith.constant 0 : i32
      %dma_wait3A_190 = tpu.memref_slice %arg5[%add3A_95, %dma_wait3A_189] : memref<100000x16xf32, #tpu.memory_space<vmem_shared>> -> memref<250x16xf32, #tpu.memory_space<vmem_shared>>
      tpu.wait_dma2 semaphore(%run_scoped3A : memref<!tpu.dma_semaphore, #tpu.memory_space<semaphore_mem>>) src(%arg10 : memref<250x16xf32, #tpu.memory_space<vmem>>) dst(%dma_wait3A_190 : memref<250x16xf32, #tpu.memory_space<vmem_shared>>)
      tpu.yield
    }) : () -> ()
    %add3A_96 = arith.constant 1750 : i32
    %add3A_97 = arith.addi %mul3A_61, %add3A_96 : i32
    "tpu.region"() ({
      %run_scoped3A = tpu.sem_alloc : memref<!tpu.dma_semaphore, #tpu.memory_space<semaphore_mem>>
      %dma_start3A_184 = arith.constant 0 : i32
      %dma_start3A_185 = tpu.memref_slice %arg5[%add3A_97, %dma_start3A_184] : memref<100000x16xf32, #tpu.memory_space<vmem_shared>> -> memref<250x16xf32, #tpu.memory_space<vmem_shared>>
      %dma_start3A_186 = arith.constant 0 : i32
      %dma_start3A_187 = tpu.memref_slice %arg5[%add3A_97, %dma_start3A_186] : memref<100000x16xf32, #tpu.memory_space<vmem_shared>> -> memref<250x16xf32, #tpu.memory_space<vmem_shared>>
      tpu.enqueue_dma source(%arg10 : memref<250x16xf32, #tpu.memory_space<vmem>>) target(%dma_start3A_187 : memref<250x16xf32, #tpu.memory_space<vmem_shared>>) target_semaphore(%run_scoped3A : memref<!tpu.dma_semaphore, #tpu.memory_space<semaphore_mem>>)
      %dma_wait3A = arith.constant 0 : i32
      %dma_wait3A_188 = tpu.memref_slice %arg5[%add3A_97, %dma_wait3A] : memref<100000x16xf32, #tpu.memory_space<vmem_shared>> -> memref<250x16xf32, #tpu.memory_space<vmem_shared>>
      %dma_wait3A_189 = arith.constant 0 : i32
      %dma_wait3A_190 = tpu.memref_slice %arg5[%add3A_97, %dma_wait3A_189] : memref<100000x16xf32, #tpu.memory_space<vmem_shared>> -> memref<250x16xf32, #tpu.memory_space<vmem_shared>>
      tpu.wait_dma2 semaphore(%run_scoped3A : memref<!tpu.dma_semaphore, #tpu.memory_space<semaphore_mem>>) src(%arg10 : memref<250x16xf32, #tpu.memory_space<vmem>>) dst(%dma_wait3A_190 : memref<250x16xf32, #tpu.memory_space<vmem_shared>>)
      tpu.yield
    }) : () -> ()
    %add3A_98 = arith.constant 2000 : i32
    %add3A_99 = arith.addi %mul3A_61, %add3A_98 : i32
    "tpu.region"() ({
      %run_scoped3A = tpu.sem_alloc : memref<!tpu.dma_semaphore, #tpu.memory_space<semaphore_mem>>
      %dma_start3A_184 = arith.constant 0 : i32
      %dma_start3A_185 = tpu.memref_slice %arg5[%add3A_99, %dma_start3A_184] : memref<100000x16xf32, #tpu.memory_space<vmem_shared>> -> memref<250x16xf32, #tpu.memory_space<vmem_shared>>
      %dma_start3A_186 = arith.constant 0 : i32
      %dma_start3A_187 = tpu.memref_slice %arg5[%add3A_99, %dma_start3A_186] : memref<100000x16xf32, #tpu.memory_space<vmem_shared>> -> memref<250x16xf32, #tpu.memory_space<vmem_shared>>
      tpu.enqueue_dma source(%arg10 : memref<250x16xf32, #tpu.memory_space<vmem>>) target(%dma_start3A_187 : memref<250x16xf32, #tpu.memory_space<vmem_shared>>) target_semaphore(%run_scoped3A : memref<!tpu.dma_semaphore, #tpu.memory_space<semaphore_mem>>)
      %dma_wait3A = arith.constant 0 : i32
      %dma_wait3A_188 = tpu.memref_slice %arg5[%add3A_99, %dma_wait3A] : memref<100000x16xf32, #tpu.memory_space<vmem_shared>> -> memref<250x16xf32, #tpu.memory_space<vmem_shared>>
      %dma_wait3A_189 = arith.constant 0 : i32
      %dma_wait3A_190 = tpu.memref_slice %arg5[%add3A_99, %dma_wait3A_189] : memref<100000x16xf32, #tpu.memory_space<vmem_shared>> -> memref<250x16xf32, #tpu.memory_space<vmem_shared>>
      tpu.wait_dma2 semaphore(%run_scoped3A : memref<!tpu.dma_semaphore, #tpu.memory_space<semaphore_mem>>) src(%arg10 : memref<250x16xf32, #tpu.memory_space<vmem>>) dst(%dma_wait3A_190 : memref<250x16xf32, #tpu.memory_space<vmem_shared>>)
      tpu.yield
    }) : () -> ()
    %add3A_100 = arith.constant 2250 : i32
    %add3A_101 = arith.addi %mul3A_61, %add3A_100 : i32
    "tpu.region"() ({
      %run_scoped3A = tpu.sem_alloc : memref<!tpu.dma_semaphore, #tpu.memory_space<semaphore_mem>>
      %dma_start3A_184 = arith.constant 0 : i32
      %dma_start3A_185 = tpu.memref_slice %arg5[%add3A_101, %dma_start3A_184] : memref<100000x16xf32, #tpu.memory_space<vmem_shared>> -> memref<250x16xf32, #tpu.memory_space<vmem_shared>>
      %dma_start3A_186 = arith.constant 0 : i32
      %dma_start3A_187 = tpu.memref_slice %arg5[%add3A_101, %dma_start3A_186] : memref<100000x16xf32, #tpu.memory_space<vmem_shared>> -> memref<250x16xf32, #tpu.memory_space<vmem_shared>>
      tpu.enqueue_dma source(%arg10 : memref<250x16xf32, #tpu.memory_space<vmem>>) target(%dma_start3A_187 : memref<250x16xf32, #tpu.memory_space<vmem_shared>>) target_semaphore(%run_scoped3A : memref<!tpu.dma_semaphore, #tpu.memory_space<semaphore_mem>>)
      %dma_wait3A = arith.constant 0 : i32
      %dma_wait3A_188 = tpu.memref_slice %arg5[%add3A_101, %dma_wait3A] : memref<100000x16xf32, #tpu.memory_space<vmem_shared>> -> memref<250x16xf32, #tpu.memory_space<vmem_shared>>
      %dma_wait3A_189 = arith.constant 0 : i32
      %dma_wait3A_190 = tpu.memref_slice %arg5[%add3A_101, %dma_wait3A_189] : memref<100000x16xf32, #tpu.memory_space<vmem_shared>> -> memref<250x16xf32, #tpu.memory_space<vmem_shared>>
      tpu.wait_dma2 semaphore(%run_scoped3A : memref<!tpu.dma_semaphore, #tpu.memory_space<semaphore_mem>>) src(%arg10 : memref<250x16xf32, #tpu.memory_space<vmem>>) dst(%dma_wait3A_190 : memref<250x16xf32, #tpu.memory_space<vmem_shared>>)
      tpu.yield
    }) : () -> ()
    %add3A_102 = arith.constant 2500 : i32
    %add3A_103 = arith.addi %mul3A_61, %add3A_102 : i32
    "tpu.region"() ({
      %run_scoped3A = tpu.sem_alloc : memref<!tpu.dma_semaphore, #tpu.memory_space<semaphore_mem>>
      %dma_start3A_184 = arith.constant 0 : i32
      %dma_start3A_185 = tpu.memref_slice %arg5[%add3A_103, %dma_start3A_184] : memref<100000x16xf32, #tpu.memory_space<vmem_shared>> -> memref<250x16xf32, #tpu.memory_space<vmem_shared>>
      %dma_start3A_186 = arith.constant 0 : i32
      %dma_start3A_187 = tpu.memref_slice %arg5[%add3A_103, %dma_start3A_186] : memref<100000x16xf32, #tpu.memory_space<vmem_shared>> -> memref<250x16xf32, #tpu.memory_space<vmem_shared>>
      tpu.enqueue_dma source(%arg10 : memref<250x16xf32, #tpu.memory_space<vmem>>) target(%dma_start3A_187 : memref<250x16xf32, #tpu.memory_space<vmem_shared>>) target_semaphore(%run_scoped3A : memref<!tpu.dma_semaphore, #tpu.memory_space<semaphore_mem>>)
      %dma_wait3A = arith.constant 0 : i32
      %dma_wait3A_188 = tpu.memref_slice %arg5[%add3A_103, %dma_wait3A] : memref<100000x16xf32, #tpu.memory_space<vmem_shared>> -> memref<250x16xf32, #tpu.memory_space<vmem_shared>>
      %dma_wait3A_189 = arith.constant 0 : i32
      %dma_wait3A_190 = tpu.memref_slice %arg5[%add3A_103, %dma_wait3A_189] : memref<100000x16xf32, #tpu.memory_space<vmem_shared>> -> memref<250x16xf32, #tpu.memory_space<vmem_shared>>
      tpu.wait_dma2 semaphore(%run_scoped3A : memref<!tpu.dma_semaphore, #tpu.memory_space<semaphore_mem>>) src(%arg10 : memref<250x16xf32, #tpu.memory_space<vmem>>) dst(%dma_wait3A_190 : memref<250x16xf32, #tpu.memory_space<vmem_shared>>)
      tpu.yield
    }) : () -> ()
    %add3A_104 = arith.constant 2750 : i32
    %add3A_105 = arith.addi %mul3A_61, %add3A_104 : i32
    "tpu.region"() ({
      %run_scoped3A = tpu.sem_alloc : memref<!tpu.dma_semaphore, #tpu.memory_space<semaphore_mem>>
      %dma_start3A_184 = arith.constant 0 : i32
      %dma_start3A_185 = tpu.memref_slice %arg5[%add3A_105, %dma_start3A_184] : memref<100000x16xf32, #tpu.memory_space<vmem_shared>> -> memref<250x16xf32, #tpu.memory_space<vmem_shared>>
      %dma_start3A_186 = arith.constant 0 : i32
      %dma_start3A_187 = tpu.memref_slice %arg5[%add3A_105, %dma_start3A_186] : memref<100000x16xf32, #tpu.memory_space<vmem_shared>> -> memref<250x16xf32, #tpu.memory_space<vmem_shared>>
      tpu.enqueue_dma source(%arg10 : memref<250x16xf32, #tpu.memory_space<vmem>>) target(%dma_start3A_187 : memref<250x16xf32, #tpu.memory_space<vmem_shared>>) target_semaphore(%run_scoped3A : memref<!tpu.dma_semaphore, #tpu.memory_space<semaphore_mem>>)
      %dma_wait3A = arith.constant 0 : i32
      %dma_wait3A_188 = tpu.memref_slice %arg5[%add3A_105, %dma_wait3A] : memref<100000x16xf32, #tpu.memory_space<vmem_shared>> -> memref<250x16xf32, #tpu.memory_space<vmem_shared>>
      %dma_wait3A_189 = arith.constant 0 : i32
      %dma_wait3A_190 = tpu.memref_slice %arg5[%add3A_105, %dma_wait3A_189] : memref<100000x16xf32, #tpu.memory_space<vmem_shared>> -> memref<250x16xf32, #tpu.memory_space<vmem_shared>>
      tpu.wait_dma2 semaphore(%run_scoped3A : memref<!tpu.dma_semaphore, #tpu.memory_space<semaphore_mem>>) src(%arg10 : memref<250x16xf32, #tpu.memory_space<vmem>>) dst(%dma_wait3A_190 : memref<250x16xf32, #tpu.memory_space<vmem_shared>>)
      tpu.yield
    }) : () -> ()
    %add3A_106 = arith.constant 3000 : i32
    %add3A_107 = arith.addi %mul3A_61, %add3A_106 : i32
    "tpu.region"() ({
      %run_scoped3A = tpu.sem_alloc : memref<!tpu.dma_semaphore, #tpu.memory_space<semaphore_mem>>
      %dma_start3A_184 = arith.constant 0 : i32
      %dma_start3A_185 = tpu.memref_slice %arg5[%add3A_107, %dma_start3A_184] : memref<100000x16xf32, #tpu.memory_space<vmem_shared>> -> memref<250x16xf32, #tpu.memory_space<vmem_shared>>
      %dma_start3A_186 = arith.constant 0 : i32
      %dma_start3A_187 = tpu.memref_slice %arg5[%add3A_107, %dma_start3A_186] : memref<100000x16xf32, #tpu.memory_space<vmem_shared>> -> memref<250x16xf32, #tpu.memory_space<vmem_shared>>
      tpu.enqueue_dma source(%arg10 : memref<250x16xf32, #tpu.memory_space<vmem>>) target(%dma_start3A_187 : memref<250x16xf32, #tpu.memory_space<vmem_shared>>) target_semaphore(%run_scoped3A : memref<!tpu.dma_semaphore, #tpu.memory_space<semaphore_mem>>)
      %dma_wait3A = arith.constant 0 : i32
      %dma_wait3A_188 = tpu.memref_slice %arg5[%add3A_107, %dma_wait3A] : memref<100000x16xf32, #tpu.memory_space<vmem_shared>> -> memref<250x16xf32, #tpu.memory_space<vmem_shared>>
      %dma_wait3A_189 = arith.constant 0 : i32
      %dma_wait3A_190 = tpu.memref_slice %arg5[%add3A_107, %dma_wait3A_189] : memref<100000x16xf32, #tpu.memory_space<vmem_shared>> -> memref<250x16xf32, #tpu.memory_space<vmem_shared>>
      tpu.wait_dma2 semaphore(%run_scoped3A : memref<!tpu.dma_semaphore, #tpu.memory_space<semaphore_mem>>) src(%arg10 : memref<250x16xf32, #tpu.memory_space<vmem>>) dst(%dma_wait3A_190 : memref<250x16xf32, #tpu.memory_space<vmem_shared>>)
      tpu.yield
    }) : () -> ()
    %add3A_108 = arith.constant 3250 : i32
    %add3A_109 = arith.addi %mul3A_61, %add3A_108 : i32
    "tpu.region"() ({
      %run_scoped3A = tpu.sem_alloc : memref<!tpu.dma_semaphore, #tpu.memory_space<semaphore_mem>>
      %dma_start3A_184 = arith.constant 0 : i32
      %dma_start3A_185 = tpu.memref_slice %arg5[%add3A_109, %dma_start3A_184] : memref<100000x16xf32, #tpu.memory_space<vmem_shared>> -> memref<250x16xf32, #tpu.memory_space<vmem_shared>>
      %dma_start3A_186 = arith.constant 0 : i32
      %dma_start3A_187 = tpu.memref_slice %arg5[%add3A_109, %dma_start3A_186] : memref<100000x16xf32, #tpu.memory_space<vmem_shared>> -> memref<250x16xf32, #tpu.memory_space<vmem_shared>>
      tpu.enqueue_dma source(%arg10 : memref<250x16xf32, #tpu.memory_space<vmem>>) target(%dma_start3A_187 : memref<250x16xf32, #tpu.memory_space<vmem_shared>>) target_semaphore(%run_scoped3A : memref<!tpu.dma_semaphore, #tpu.memory_space<semaphore_mem>>)
      %dma_wait3A = arith.constant 0 : i32
      %dma_wait3A_188 = tpu.memref_slice %arg5[%add3A_109, %dma_wait3A] : memref<100000x16xf32, #tpu.memory_space<vmem_shared>> -> memref<250x16xf32, #tpu.memory_space<vmem_shared>>
      %dma_wait3A_189 = arith.constant 0 : i32
      %dma_wait3A_190 = tpu.memref_slice %arg5[%add3A_109, %dma_wait3A_189] : memref<100000x16xf32, #tpu.memory_space<vmem_shared>> -> memref<250x16xf32, #tpu.memory_space<vmem_shared>>
      tpu.wait_dma2 semaphore(%run_scoped3A : memref<!tpu.dma_semaphore, #tpu.memory_space<semaphore_mem>>) src(%arg10 : memref<250x16xf32, #tpu.memory_space<vmem>>) dst(%dma_wait3A_190 : memref<250x16xf32, #tpu.memory_space<vmem_shared>>)
      tpu.yield
    }) : () -> ()
    %add3A_110 = arith.constant 3500 : i32
    %add3A_111 = arith.addi %mul3A_61, %add3A_110 : i32
    "tpu.region"() ({
      %run_scoped3A = tpu.sem_alloc : memref<!tpu.dma_semaphore, #tpu.memory_space<semaphore_mem>>
      %dma_start3A_184 = arith.constant 0 : i32
      %dma_start3A_185 = tpu.memref_slice %arg5[%add3A_111, %dma_start3A_184] : memref<100000x16xf32, #tpu.memory_space<vmem_shared>> -> memref<250x16xf32, #tpu.memory_space<vmem_shared>>
      %dma_start3A_186 = arith.constant 0 : i32
      %dma_start3A_187 = tpu.memref_slice %arg5[%add3A_111, %dma_start3A_186] : memref<100000x16xf32, #tpu.memory_space<vmem_shared>> -> memref<250x16xf32, #tpu.memory_space<vmem_shared>>
      tpu.enqueue_dma source(%arg10 : memref<250x16xf32, #tpu.memory_space<vmem>>) target(%dma_start3A_187 : memref<250x16xf32, #tpu.memory_space<vmem_shared>>) target_semaphore(%run_scoped3A : memref<!tpu.dma_semaphore, #tpu.memory_space<semaphore_mem>>)
      %dma_wait3A = arith.constant 0 : i32
      %dma_wait3A_188 = tpu.memref_slice %arg5[%add3A_111, %dma_wait3A] : memref<100000x16xf32, #tpu.memory_space<vmem_shared>> -> memref<250x16xf32, #tpu.memory_space<vmem_shared>>
      %dma_wait3A_189 = arith.constant 0 : i32
      %dma_wait3A_190 = tpu.memref_slice %arg5[%add3A_111, %dma_wait3A_189] : memref<100000x16xf32, #tpu.memory_space<vmem_shared>> -> memref<250x16xf32, #tpu.memory_space<vmem_shared>>
      tpu.wait_dma2 semaphore(%run_scoped3A : memref<!tpu.dma_semaphore, #tpu.memory_space<semaphore_mem>>) src(%arg10 : memref<250x16xf32, #tpu.memory_space<vmem>>) dst(%dma_wait3A_190 : memref<250x16xf32, #tpu.memory_space<vmem_shared>>)
      tpu.yield
    }) : () -> ()
    %add3A_112 = arith.constant 3750 : i32
    %add3A_113 = arith.addi %mul3A_61, %add3A_112 : i32
    "tpu.region"() ({
      %run_scoped3A = tpu.sem_alloc : memref<!tpu.dma_semaphore, #tpu.memory_space<semaphore_mem>>
      %dma_start3A_184 = arith.constant 0 : i32
      %dma_start3A_185 = tpu.memref_slice %arg5[%add3A_113, %dma_start3A_184] : memref<100000x16xf32, #tpu.memory_space<vmem_shared>> -> memref<250x16xf32, #tpu.memory_space<vmem_shared>>
      %dma_start3A_186 = arith.constant 0 : i32
      %dma_start3A_187 = tpu.memref_slice %arg5[%add3A_113, %dma_start3A_186] : memref<100000x16xf32, #tpu.memory_space<vmem_shared>> -> memref<250x16xf32, #tpu.memory_space<vmem_shared>>
      tpu.enqueue_dma source(%arg10 : memref<250x16xf32, #tpu.memory_space<vmem>>) target(%dma_start3A_187 : memref<250x16xf32, #tpu.memory_space<vmem_shared>>) target_semaphore(%run_scoped3A : memref<!tpu.dma_semaphore, #tpu.memory_space<semaphore_mem>>)
      %dma_wait3A = arith.constant 0 : i32
      %dma_wait3A_188 = tpu.memref_slice %arg5[%add3A_113, %dma_wait3A] : memref<100000x16xf32, #tpu.memory_space<vmem_shared>> -> memref<250x16xf32, #tpu.memory_space<vmem_shared>>
      %dma_wait3A_189 = arith.constant 0 : i32
      %dma_wait3A_190 = tpu.memref_slice %arg5[%add3A_113, %dma_wait3A_189] : memref<100000x16xf32, #tpu.memory_space<vmem_shared>> -> memref<250x16xf32, #tpu.memory_space<vmem_shared>>
      tpu.wait_dma2 semaphore(%run_scoped3A : memref<!tpu.dma_semaphore, #tpu.memory_space<semaphore_mem>>) src(%arg10 : memref<250x16xf32, #tpu.memory_space<vmem>>) dst(%dma_wait3A_190 : memref<250x16xf32, #tpu.memory_space<vmem_shared>>)
      tpu.yield
    }) : () -> ()
    %add3A_114 = arith.constant 4000 : i32
    %add3A_115 = arith.addi %mul3A_61, %add3A_114 : i32
    "tpu.region"() ({
      %run_scoped3A = tpu.sem_alloc : memref<!tpu.dma_semaphore, #tpu.memory_space<semaphore_mem>>
      %dma_start3A_184 = arith.constant 0 : i32
      %dma_start3A_185 = tpu.memref_slice %arg5[%add3A_115, %dma_start3A_184] : memref<100000x16xf32, #tpu.memory_space<vmem_shared>> -> memref<250x16xf32, #tpu.memory_space<vmem_shared>>
      %dma_start3A_186 = arith.constant 0 : i32
      %dma_start3A_187 = tpu.memref_slice %arg5[%add3A_115, %dma_start3A_186] : memref<100000x16xf32, #tpu.memory_space<vmem_shared>> -> memref<250x16xf32, #tpu.memory_space<vmem_shared>>
      tpu.enqueue_dma source(%arg10 : memref<250x16xf32, #tpu.memory_space<vmem>>) target(%dma_start3A_187 : memref<250x16xf32, #tpu.memory_space<vmem_shared>>) target_semaphore(%run_scoped3A : memref<!tpu.dma_semaphore, #tpu.memory_space<semaphore_mem>>)
      %dma_wait3A = arith.constant 0 : i32
      %dma_wait3A_188 = tpu.memref_slice %arg5[%add3A_115, %dma_wait3A] : memref<100000x16xf32, #tpu.memory_space<vmem_shared>> -> memref<250x16xf32, #tpu.memory_space<vmem_shared>>
      %dma_wait3A_189 = arith.constant 0 : i32
      %dma_wait3A_190 = tpu.memref_slice %arg5[%add3A_115, %dma_wait3A_189] : memref<100000x16xf32, #tpu.memory_space<vmem_shared>> -> memref<250x16xf32, #tpu.memory_space<vmem_shared>>
      tpu.wait_dma2 semaphore(%run_scoped3A : memref<!tpu.dma_semaphore, #tpu.memory_space<semaphore_mem>>) src(%arg10 : memref<250x16xf32, #tpu.memory_space<vmem>>) dst(%dma_wait3A_190 : memref<250x16xf32, #tpu.memory_space<vmem_shared>>)
      tpu.yield
    }) : () -> ()
    %add3A_116 = arith.constant 4250 : i32
    %add3A_117 = arith.addi %mul3A_61, %add3A_116 : i32
    "tpu.region"() ({
      %run_scoped3A = tpu.sem_alloc : memref<!tpu.dma_semaphore, #tpu.memory_space<semaphore_mem>>
      %dma_start3A_184 = arith.constant 0 : i32
      %dma_start3A_185 = tpu.memref_slice %arg5[%add3A_117, %dma_start3A_184] : memref<100000x16xf32, #tpu.memory_space<vmem_shared>> -> memref<250x16xf32, #tpu.memory_space<vmem_shared>>
      %dma_start3A_186 = arith.constant 0 : i32
      %dma_start3A_187 = tpu.memref_slice %arg5[%add3A_117, %dma_start3A_186] : memref<100000x16xf32, #tpu.memory_space<vmem_shared>> -> memref<250x16xf32, #tpu.memory_space<vmem_shared>>
      tpu.enqueue_dma source(%arg10 : memref<250x16xf32, #tpu.memory_space<vmem>>) target(%dma_start3A_187 : memref<250x16xf32, #tpu.memory_space<vmem_shared>>) target_semaphore(%run_scoped3A : memref<!tpu.dma_semaphore, #tpu.memory_space<semaphore_mem>>)
      %dma_wait3A = arith.constant 0 : i32
      %dma_wait3A_188 = tpu.memref_slice %arg5[%add3A_117, %dma_wait3A] : memref<100000x16xf32, #tpu.memory_space<vmem_shared>> -> memref<250x16xf32, #tpu.memory_space<vmem_shared>>
      %dma_wait3A_189 = arith.constant 0 : i32
      %dma_wait3A_190 = tpu.memref_slice %arg5[%add3A_117, %dma_wait3A_189] : memref<100000x16xf32, #tpu.memory_space<vmem_shared>> -> memref<250x16xf32, #tpu.memory_space<vmem_shared>>
      tpu.wait_dma2 semaphore(%run_scoped3A : memref<!tpu.dma_semaphore, #tpu.memory_space<semaphore_mem>>) src(%arg10 : memref<250x16xf32, #tpu.memory_space<vmem>>) dst(%dma_wait3A_190 : memref<250x16xf32, #tpu.memory_space<vmem_shared>>)
      tpu.yield
    }) : () -> ()
    %add3A_118 = arith.constant 4500 : i32
    %add3A_119 = arith.addi %mul3A_61, %add3A_118 : i32
    "tpu.region"() ({
      %run_scoped3A = tpu.sem_alloc : memref<!tpu.dma_semaphore, #tpu.memory_space<semaphore_mem>>
      %dma_start3A_184 = arith.constant 0 : i32
      %dma_start3A_185 = tpu.memref_slice %arg5[%add3A_119, %dma_start3A_184] : memref<100000x16xf32, #tpu.memory_space<vmem_shared>> -> memref<250x16xf32, #tpu.memory_space<vmem_shared>>
      %dma_start3A_186 = arith.constant 0 : i32
      %dma_start3A_187 = tpu.memref_slice %arg5[%add3A_119, %dma_start3A_186] : memref<100000x16xf32, #tpu.memory_space<vmem_shared>> -> memref<250x16xf32, #tpu.memory_space<vmem_shared>>
      tpu.enqueue_dma source(%arg10 : memref<250x16xf32, #tpu.memory_space<vmem>>) target(%dma_start3A_187 : memref<250x16xf32, #tpu.memory_space<vmem_shared>>) target_semaphore(%run_scoped3A : memref<!tpu.dma_semaphore, #tpu.memory_space<semaphore_mem>>)
      %dma_wait3A = arith.constant 0 : i32
      %dma_wait3A_188 = tpu.memref_slice %arg5[%add3A_119, %dma_wait3A] : memref<100000x16xf32, #tpu.memory_space<vmem_shared>> -> memref<250x16xf32, #tpu.memory_space<vmem_shared>>
      %dma_wait3A_189 = arith.constant 0 : i32
      %dma_wait3A_190 = tpu.memref_slice %arg5[%add3A_119, %dma_wait3A_189] : memref<100000x16xf32, #tpu.memory_space<vmem_shared>> -> memref<250x16xf32, #tpu.memory_space<vmem_shared>>
      tpu.wait_dma2 semaphore(%run_scoped3A : memref<!tpu.dma_semaphore, #tpu.memory_space<semaphore_mem>>) src(%arg10 : memref<250x16xf32, #tpu.memory_space<vmem>>) dst(%dma_wait3A_190 : memref<250x16xf32, #tpu.memory_space<vmem_shared>>)
      tpu.yield
    }) : () -> ()
    %add3A_120 = arith.constant 4750 : i32
    %add3A_121 = arith.addi %mul3A_61, %add3A_120 : i32
    "tpu.region"() ({
      %run_scoped3A = tpu.sem_alloc : memref<!tpu.dma_semaphore, #tpu.memory_space<semaphore_mem>>
      %dma_start3A_184 = arith.constant 0 : i32
      %dma_start3A_185 = tpu.memref_slice %arg5[%add3A_121, %dma_start3A_184] : memref<100000x16xf32, #tpu.memory_space<vmem_shared>> -> memref<250x16xf32, #tpu.memory_space<vmem_shared>>
      %dma_start3A_186 = arith.constant 0 : i32
      %dma_start3A_187 = tpu.memref_slice %arg5[%add3A_121, %dma_start3A_186] : memref<100000x16xf32, #tpu.memory_space<vmem_shared>> -> memref<250x16xf32, #tpu.memory_space<vmem_shared>>
      tpu.enqueue_dma source(%arg10 : memref<250x16xf32, #tpu.memory_space<vmem>>) target(%dma_start3A_187 : memref<250x16xf32, #tpu.memory_space<vmem_shared>>) target_semaphore(%run_scoped3A : memref<!tpu.dma_semaphore, #tpu.memory_space<semaphore_mem>>)
      %dma_wait3A = arith.constant 0 : i32
      %dma_wait3A_188 = tpu.memref_slice %arg5[%add3A_121, %dma_wait3A] : memref<100000x16xf32, #tpu.memory_space<vmem_shared>> -> memref<250x16xf32, #tpu.memory_space<vmem_shared>>
      %dma_wait3A_189 = arith.constant 0 : i32
      %dma_wait3A_190 = tpu.memref_slice %arg5[%add3A_121, %dma_wait3A_189] : memref<100000x16xf32, #tpu.memory_space<vmem_shared>> -> memref<250x16xf32, #tpu.memory_space<vmem_shared>>
      tpu.wait_dma2 semaphore(%run_scoped3A : memref<!tpu.dma_semaphore, #tpu.memory_space<semaphore_mem>>) src(%arg10 : memref<250x16xf32, #tpu.memory_space<vmem>>) dst(%dma_wait3A_190 : memref<250x16xf32, #tpu.memory_space<vmem_shared>>)
      tpu.yield
    }) : () -> ()
    %add3A_122 = arith.constant 5000 : i32
    %add3A_123 = arith.addi %mul3A_61, %add3A_122 : i32
    "tpu.region"() ({
      %run_scoped3A = tpu.sem_alloc : memref<!tpu.dma_semaphore, #tpu.memory_space<semaphore_mem>>
      %dma_start3A_184 = arith.constant 0 : i32
      %dma_start3A_185 = tpu.memref_slice %arg5[%add3A_123, %dma_start3A_184] : memref<100000x16xf32, #tpu.memory_space<vmem_shared>> -> memref<250x16xf32, #tpu.memory_space<vmem_shared>>
      %dma_start3A_186 = arith.constant 0 : i32
      %dma_start3A_187 = tpu.memref_slice %arg5[%add3A_123, %dma_start3A_186] : memref<100000x16xf32, #tpu.memory_space<vmem_shared>> -> memref<250x16xf32, #tpu.memory_space<vmem_shared>>
      tpu.enqueue_dma source(%arg10 : memref<250x16xf32, #tpu.memory_space<vmem>>) target(%dma_start3A_187 : memref<250x16xf32, #tpu.memory_space<vmem_shared>>) target_semaphore(%run_scoped3A : memref<!tpu.dma_semaphore, #tpu.memory_space<semaphore_mem>>)
      %dma_wait3A = arith.constant 0 : i32
      %dma_wait3A_188 = tpu.memref_slice %arg5[%add3A_123, %dma_wait3A] : memref<100000x16xf32, #tpu.memory_space<vmem_shared>> -> memref<250x16xf32, #tpu.memory_space<vmem_shared>>
      %dma_wait3A_189 = arith.constant 0 : i32
      %dma_wait3A_190 = tpu.memref_slice %arg5[%add3A_123, %dma_wait3A_189] : memref<100000x16xf32, #tpu.memory_space<vmem_shared>> -> memref<250x16xf32, #tpu.memory_space<vmem_shared>>
      tpu.wait_dma2 semaphore(%run_scoped3A : memref<!tpu.dma_semaphore, #tpu.memory_space<semaphore_mem>>) src(%arg10 : memref<250x16xf32, #tpu.memory_space<vmem>>) dst(%dma_wait3A_190 : memref<250x16xf32, #tpu.memory_space<vmem_shared>>)
      tpu.yield
    }) : () -> ()
    %add3A_124 = arith.constant 5250 : i32
    %add3A_125 = arith.addi %mul3A_61, %add3A_124 : i32
    "tpu.region"() ({
      %run_scoped3A = tpu.sem_alloc : memref<!tpu.dma_semaphore, #tpu.memory_space<semaphore_mem>>
      %dma_start3A_184 = arith.constant 0 : i32
      %dma_start3A_185 = tpu.memref_slice %arg5[%add3A_125, %dma_start3A_184] : memref<100000x16xf32, #tpu.memory_space<vmem_shared>> -> memref<250x16xf32, #tpu.memory_space<vmem_shared>>
      %dma_start3A_186 = arith.constant 0 : i32
      %dma_start3A_187 = tpu.memref_slice %arg5[%add3A_125, %dma_start3A_186] : memref<100000x16xf32, #tpu.memory_space<vmem_shared>> -> memref<250x16xf32, #tpu.memory_space<vmem_shared>>
      tpu.enqueue_dma source(%arg10 : memref<250x16xf32, #tpu.memory_space<vmem>>) target(%dma_start3A_187 : memref<250x16xf32, #tpu.memory_space<vmem_shared>>) target_semaphore(%run_scoped3A : memref<!tpu.dma_semaphore, #tpu.memory_space<semaphore_mem>>)
      %dma_wait3A = arith.constant 0 : i32
      %dma_wait3A_188 = tpu.memref_slice %arg5[%add3A_125, %dma_wait3A] : memref<100000x16xf32, #tpu.memory_space<vmem_shared>> -> memref<250x16xf32, #tpu.memory_space<vmem_shared>>
      %dma_wait3A_189 = arith.constant 0 : i32
      %dma_wait3A_190 = tpu.memref_slice %arg5[%add3A_125, %dma_wait3A_189] : memref<100000x16xf32, #tpu.memory_space<vmem_shared>> -> memref<250x16xf32, #tpu.memory_space<vmem_shared>>
      tpu.wait_dma2 semaphore(%run_scoped3A : memref<!tpu.dma_semaphore, #tpu.memory_space<semaphore_mem>>) src(%arg10 : memref<250x16xf32, #tpu.memory_space<vmem>>) dst(%dma_wait3A_190 : memref<250x16xf32, #tpu.memory_space<vmem_shared>>)
      tpu.yield
    }) : () -> ()
    %add3A_126 = arith.constant 5500 : i32
    %add3A_127 = arith.addi %mul3A_61, %add3A_126 : i32
    "tpu.region"() ({
      %run_scoped3A = tpu.sem_alloc : memref<!tpu.dma_semaphore, #tpu.memory_space<semaphore_mem>>
      %dma_start3A_184 = arith.constant 0 : i32
      %dma_start3A_185 = tpu.memref_slice %arg5[%add3A_127, %dma_start3A_184] : memref<100000x16xf32, #tpu.memory_space<vmem_shared>> -> memref<250x16xf32, #tpu.memory_space<vmem_shared>>
      %dma_start3A_186 = arith.constant 0 : i32
      %dma_start3A_187 = tpu.memref_slice %arg5[%add3A_127, %dma_start3A_186] : memref<100000x16xf32, #tpu.memory_space<vmem_shared>> -> memref<250x16xf32, #tpu.memory_space<vmem_shared>>
      tpu.enqueue_dma source(%arg10 : memref<250x16xf32, #tpu.memory_space<vmem>>) target(%dma_start3A_187 : memref<250x16xf32, #tpu.memory_space<vmem_shared>>) target_semaphore(%run_scoped3A : memref<!tpu.dma_semaphore, #tpu.memory_space<semaphore_mem>>)
      %dma_wait3A = arith.constant 0 : i32
      %dma_wait3A_188 = tpu.memref_slice %arg5[%add3A_127, %dma_wait3A] : memref<100000x16xf32, #tpu.memory_space<vmem_shared>> -> memref<250x16xf32, #tpu.memory_space<vmem_shared>>
      %dma_wait3A_189 = arith.constant 0 : i32
      %dma_wait3A_190 = tpu.memref_slice %arg5[%add3A_127, %dma_wait3A_189] : memref<100000x16xf32, #tpu.memory_space<vmem_shared>> -> memref<250x16xf32, #tpu.memory_space<vmem_shared>>
      tpu.wait_dma2 semaphore(%run_scoped3A : memref<!tpu.dma_semaphore, #tpu.memory_space<semaphore_mem>>) src(%arg10 : memref<250x16xf32, #tpu.memory_space<vmem>>) dst(%dma_wait3A_190 : memref<250x16xf32, #tpu.memory_space<vmem_shared>>)
      tpu.yield
    }) : () -> ()
    %add3A_128 = arith.constant 5750 : i32
    %add3A_129 = arith.addi %mul3A_61, %add3A_128 : i32
    "tpu.region"() ({
      %run_scoped3A = tpu.sem_alloc : memref<!tpu.dma_semaphore, #tpu.memory_space<semaphore_mem>>
      %dma_start3A_184 = arith.constant 0 : i32
      %dma_start3A_185 = tpu.memref_slice %arg5[%add3A_129, %dma_start3A_184] : memref<100000x16xf32, #tpu.memory_space<vmem_shared>> -> memref<250x16xf32, #tpu.memory_space<vmem_shared>>
      %dma_start3A_186 = arith.constant 0 : i32
      %dma_start3A_187 = tpu.memref_slice %arg5[%add3A_129, %dma_start3A_186] : memref<100000x16xf32, #tpu.memory_space<vmem_shared>> -> memref<250x16xf32, #tpu.memory_space<vmem_shared>>
      tpu.enqueue_dma source(%arg10 : memref<250x16xf32, #tpu.memory_space<vmem>>) target(%dma_start3A_187 : memref<250x16xf32, #tpu.memory_space<vmem_shared>>) target_semaphore(%run_scoped3A : memref<!tpu.dma_semaphore, #tpu.memory_space<semaphore_mem>>)
      %dma_wait3A = arith.constant 0 : i32
      %dma_wait3A_188 = tpu.memref_slice %arg5[%add3A_129, %dma_wait3A] : memref<100000x16xf32, #tpu.memory_space<vmem_shared>> -> memref<250x16xf32, #tpu.memory_space<vmem_shared>>
      %dma_wait3A_189 = arith.constant 0 : i32
      %dma_wait3A_190 = tpu.memref_slice %arg5[%add3A_129, %dma_wait3A_189] : memref<100000x16xf32, #tpu.memory_space<vmem_shared>> -> memref<250x16xf32, #tpu.memory_space<vmem_shared>>
      tpu.wait_dma2 semaphore(%run_scoped3A : memref<!tpu.dma_semaphore, #tpu.memory_space<semaphore_mem>>) src(%arg10 : memref<250x16xf32, #tpu.memory_space<vmem>>) dst(%dma_wait3A_190 : memref<250x16xf32, #tpu.memory_space<vmem_shared>>)
      tpu.yield
    }) : () -> ()
    %add3A_130 = arith.constant 6000 : i32
    %add3A_131 = arith.addi %mul3A_61, %add3A_130 : i32
    "tpu.region"() ({
      %run_scoped3A = tpu.sem_alloc : memref<!tpu.dma_semaphore, #tpu.memory_space<semaphore_mem>>
      %dma_start3A_184 = arith.constant 0 : i32
      %dma_start3A_185 = tpu.memref_slice %arg5[%add3A_131, %dma_start3A_184] : memref<100000x16xf32, #tpu.memory_space<vmem_shared>> -> memref<250x16xf32, #tpu.memory_space<vmem_shared>>
      %dma_start3A_186 = arith.constant 0 : i32
      %dma_start3A_187 = tpu.memref_slice %arg5[%add3A_131, %dma_start3A_186] : memref<100000x16xf32, #tpu.memory_space<vmem_shared>> -> memref<250x16xf32, #tpu.memory_space<vmem_shared>>
      tpu.enqueue_dma source(%arg10 : memref<250x16xf32, #tpu.memory_space<vmem>>) target(%dma_start3A_187 : memref<250x16xf32, #tpu.memory_space<vmem_shared>>) target_semaphore(%run_scoped3A : memref<!tpu.dma_semaphore, #tpu.memory_space<semaphore_mem>>)
      %dma_wait3A = arith.constant 0 : i32
      %dma_wait3A_188 = tpu.memref_slice %arg5[%add3A_131, %dma_wait3A] : memref<100000x16xf32, #tpu.memory_space<vmem_shared>> -> memref<250x16xf32, #tpu.memory_space<vmem_shared>>
      %dma_wait3A_189 = arith.constant 0 : i32
      %dma_wait3A_190 = tpu.memref_slice %arg5[%add3A_131, %dma_wait3A_189] : memref<100000x16xf32, #tpu.memory_space<vmem_shared>> -> memref<250x16xf32, #tpu.memory_space<vmem_shared>>
      tpu.wait_dma2 semaphore(%run_scoped3A : memref<!tpu.dma_semaphore, #tpu.memory_space<semaphore_mem>>) src(%arg10 : memref<250x16xf32, #tpu.memory_space<vmem>>) dst(%dma_wait3A_190 : memref<250x16xf32, #tpu.memory_space<vmem_shared>>)
      tpu.yield
    }) : () -> ()
    %barrier3A = arith.constant 0 : index
    tpu.barrier barrier_id(%barrier3A)
    %jit3A_132 = arith.constant 2 : i32
    %div3A_133 = arith.divsi %sub3A_46, %jit3A_132 : i32
    %sign3A_134 = arith.constant 0 : i32
    %sign3A_135 = arith.cmpi sgt, %sub3A_46, %sign3A_134 : i32
    %sign3A_136 = arith.extui %sign3A_135 : i1 to i32
    %sign3A_137 = arith.constant 0 : i32
    %sign3A_138 = arith.cmpi slt, %sub3A_46, %sign3A_137 : i32
    %sign3A_139 = arith.extui %sign3A_138 : i1 to i32
    %sign3A_140 = arith.subi %sign3A_136, %sign3A_139 : i32
    %sign3A_141 = arith.constant 0 : i32
    %sign3A_142 = arith.cmpi sgt, %jit3A_132, %sign3A_141 : i32
    %sign3A_143 = arith.extui %sign3A_142 : i1 to i32
    %sign3A_144 = arith.constant 0 : i32
    %sign3A_145 = arith.cmpi slt, %jit3A_132, %sign3A_144 : i32
    %sign3A_146 = arith.extui %sign3A_145 : i1 to i32
    %sign3A_147 = arith.subi %sign3A_143, %sign3A_146 : i32
    %ne3A_148 = arith.cmpi ne, %sign3A_140, %sign3A_147 : i32
    %rem3A_149 = arith.remsi %sub3A_46, %jit3A_132 : i32
    %ne3A_150 = arith.constant 0 : i32
    %ne3A_151 = arith.cmpi ne, %rem3A_149, %ne3A_150 : i32
    %and3A_152 = arith.andi %ne3A_148, %ne3A_151 : i1
    %sub3A_153 = arith.constant 1 : i32
    %sub3A_154 = arith.subi %div3A_133, %sub3A_153 : i32
    %select_n3A_155 = arith.select %and3A_152, %sub3A_154, %div3A_133 : i32
    %while3A = arith.constant 0 : i32
    %while3A_156 = arith.subi %select_n3A_155, %while3A : i32
    %while3A_157 = arith.addi %while3A, %while3A_156 : i32
    %while3A_158 = arith.constant 1 : i32
    %while3A_159 = arith.divsi %while3A_156, %while3A_158 : i32
    %while3A_160 = arith.muli %while3A_159, %while3A_158 : i32
    %while3A_161 = arith.addi %while3A, %while3A_160 : i32
    %while3A_162 = arith.constant 1 : i32
    scf.for %while3A_184 = %while3A to %while3A_161 step %while3A_162  : i32 {
      %mul3A_185 = arith.constant 2 : i32
      %mul3A_186 = arith.muli %mul3A_185, %while3A_184 : i32
      %add3A_187 = arith.addi %select_n3A, %mul3A_186 : i32
      %mul3A_188 = arith.constant 5 : i32
      %mul3A_189 = arith.muli %add3A_187, %mul3A_188 : i32
      %add3A_190 = arith.constant 0 : i32
      %add3A_191 = arith.addi %add3A_190, %mul3A_189 : i32
      %dma_wait3A = arith.constant 0 : i32
      %dma_wait3A_192 = tpu.memref_slice %arg2[%add3A_191, %dma_wait3A] : memref<12500x128xi32, #tpu.memory_space<hbm>> -> memref<5x128xi32, #tpu.memory_space<hbm>>
      %dma_wait3A_193 = arith.constant 0 : i32
      %dma_wait3A_194 = tpu.memref_slice %arg2[%add3A_191, %dma_wait3A_193] : memref<12500x128xi32, #tpu.memory_space<hbm>> -> memref<5x128xi32, #tpu.memory_space<hbm>>
      tpu.wait_dma2 semaphore(%arg11 : memref<!tpu.dma_semaphore, #tpu.memory_space<semaphore_mem>>) src(%dma_wait3A_194 : memref<5x128xi32, #tpu.memory_space<hbm>>) dst(%arg6 : memref<5x128xi32, #tpu.memory_space<vmem>>)
      %mul3A_195 = arith.constant 640 : i32
      %mul3A_196 = arith.muli %add3A_187, %mul3A_195 : i32
      %dma_wait3A_197 = tpu.memref_slice %arg3[%mul3A_196, %mul3A_0] : memref<1600000x32xf32, #tpu.memory_space<hbm>> -> memref<640x16xf32, #tpu.memory_space<hbm>>
      %dma_wait3A_198 = tpu.memref_slice %arg3[%mul3A_196, %mul3A_0] : memref<1600000x32xf32, #tpu.memory_space<hbm>> -> memref<640x16xf32, #tpu.memory_space<hbm>>
      tpu.wait_dma2 semaphore(%arg13 : memref<!tpu.dma_semaphore, #tpu.memory_space<semaphore_mem>>) src(%dma_wait3A_198 : memref<640x16xf32, #tpu.memory_space<hbm>>) dst(%arg8 : memref<640x16xf32, #tpu.memory_space<vmem>>)
      %dma_start3A_199 = arith.constant 0 : i32
      %dma_start3A_200 = arith.constant 0 : i32
      %dma_start3A_201 = arith.constant 0 : i32
      %dma_start3A_202 = tpu.memref_slice %arg8[%dma_start3A_200, %dma_start3A_201] : memref<640x16xf32, #tpu.memory_space<vmem>> -> memref<128x16xf32, #tpu.memory_space<vmem>>
      %dma_start3A_203 = arith.constant 0 : i32
      %dma_start3A_204 = tpu.memref_slice %arg6[%dma_start3A_199, %dma_start3A_203] : memref<5x128xi32, #tpu.memory_space<vmem>> -> memref<1x128xi32, #tpu.memory_space<vmem>>
      %dma_start3A_205 = tpu.memref_squeeze %dma_start3A_204 : memref<1x128xi32, #tpu.memory_space<vmem>> -> memref<128xi32, #tpu.memory_space<vmem>>
      %dma_start3A_206 = arith.constant 0 : i32
      %dma_start3A_207 = arith.constant 0 : i32
      %dma_start3A_208 = tpu.memref_slice %arg5[%dma_start3A_206, %dma_start3A_207] : memref<100000x16xf32, #tpu.memory_space<vmem_shared>> -> memref<100000x16xf32, #tpu.memory_space<vmem_shared>>
      tpu.enqueue_indirect_dma source(%dma_start3A_202 : memref<128x16xf32, #tpu.memory_space<vmem>>) target(%dma_start3A_208 : memref<100000x16xf32, #tpu.memory_space<vmem_shared>>) offsets(%dma_start3A_205 : memref<128xi32, #tpu.memory_space<vmem>>) semaphore(%arg15 : memref<!tpu.dma_semaphore, #tpu.memory_space<semaphore_mem>>) {add = true}
      %dma_start3A_209 = arith.constant 1 : i32
      %dma_start3A_210 = arith.constant 128 : i32
      %dma_start3A_211 = arith.constant 0 : i32
      %dma_start3A_212 = tpu.memref_slice %arg8[%dma_start3A_210, %dma_start3A_211] : memref<640x16xf32, #tpu.memory_space<vmem>> -> memref<128x16xf32, #tpu.memory_space<vmem>>
      %dma_start3A_213 = arith.constant 0 : i32
      %dma_start3A_214 = tpu.memref_slice %arg6[%dma_start3A_209, %dma_start3A_213] : memref<5x128xi32, #tpu.memory_space<vmem>> -> memref<1x128xi32, #tpu.memory_space<vmem>>
      %dma_start3A_215 = tpu.memref_squeeze %dma_start3A_214 : memref<1x128xi32, #tpu.memory_space<vmem>> -> memref<128xi32, #tpu.memory_space<vmem>>
      %dma_start3A_216 = arith.constant 0 : i32
      %dma_start3A_217 = arith.constant 0 : i32
      %dma_start3A_218 = tpu.memref_slice %arg5[%dma_start3A_216, %dma_start3A_217] : memref<100000x16xf32, #tpu.memory_space<vmem_shared>> -> memref<100000x16xf32, #tpu.memory_space<vmem_shared>>
      tpu.enqueue_indirect_dma source(%dma_start3A_212 : memref<128x16xf32, #tpu.memory_space<vmem>>) target(%dma_start3A_218 : memref<100000x16xf32, #tpu.memory_space<vmem_shared>>) offsets(%dma_start3A_215 : memref<128xi32, #tpu.memory_space<vmem>>) semaphore(%arg15 : memref<!tpu.dma_semaphore, #tpu.memory_space<semaphore_mem>>) {add = true}
      %dma_start3A_219 = arith.constant 2 : i32
      %dma_start3A_220 = arith.constant 256 : i32
      %dma_start3A_221 = arith.constant 0 : i32
      %dma_start3A_222 = tpu.memref_slice %arg8[%dma_start3A_220, %dma_start3A_221] : memref<640x16xf32, #tpu.memory_space<vmem>> -> memref<128x16xf32, #tpu.memory_space<vmem>>
      %dma_start3A_223 = arith.constant 0 : i32
      %dma_start3A_224 = tpu.memref_slice %arg6[%dma_start3A_219, %dma_start3A_223] : memref<5x128xi32, #tpu.memory_space<vmem>> -> memref<1x128xi32, #tpu.memory_space<vmem>>
      %dma_start3A_225 = tpu.memref_squeeze %dma_start3A_224 : memref<1x128xi32, #tpu.memory_space<vmem>> -> memref<128xi32, #tpu.memory_space<vmem>>
      %dma_start3A_226 = arith.constant 0 : i32
      %dma_start3A_227 = arith.constant 0 : i32
      %dma_start3A_228 = tpu.memref_slice %arg5[%dma_start3A_226, %dma_start3A_227] : memref<100000x16xf32, #tpu.memory_space<vmem_shared>> -> memref<100000x16xf32, #tpu.memory_space<vmem_shared>>
      tpu.enqueue_indirect_dma source(%dma_start3A_222 : memref<128x16xf32, #tpu.memory_space<vmem>>) target(%dma_start3A_228 : memref<100000x16xf32, #tpu.memory_space<vmem_shared>>) offsets(%dma_start3A_225 : memref<128xi32, #tpu.memory_space<vmem>>) semaphore(%arg15 : memref<!tpu.dma_semaphore, #tpu.memory_space<semaphore_mem>>) {add = true}
      %dma_start3A_229 = arith.constant 3 : i32
      %dma_start3A_230 = arith.constant 384 : i32
      %dma_start3A_231 = arith.constant 0 : i32
      %dma_start3A_232 = tpu.memref_slice %arg8[%dma_start3A_230, %dma_start3A_231] : memref<640x16xf32, #tpu.memory_space<vmem>> -> memref<128x16xf32, #tpu.memory_space<vmem>>
      %dma_start3A_233 = arith.constant 0 : i32
      %dma_start3A_234 = tpu.memref_slice %arg6[%dma_start3A_229, %dma_start3A_233] : memref<5x128xi32, #tpu.memory_space<vmem>> -> memref<1x128xi32, #tpu.memory_space<vmem>>
      %dma_start3A_235 = tpu.memref_squeeze %dma_start3A_234 : memref<1x128xi32, #tpu.memory_space<vmem>> -> memref<128xi32, #tpu.memory_space<vmem>>
      %dma_start3A_236 = arith.constant 0 : i32
      %dma_start3A_237 = arith.constant 0 : i32
      %dma_start3A_238 = tpu.memref_slice %arg5[%dma_start3A_236, %dma_start3A_237] : memref<100000x16xf32, #tpu.memory_space<vmem_shared>> -> memref<100000x16xf32, #tpu.memory_space<vmem_shared>>
      tpu.enqueue_indirect_dma source(%dma_start3A_232 : memref<128x16xf32, #tpu.memory_space<vmem>>) target(%dma_start3A_238 : memref<100000x16xf32, #tpu.memory_space<vmem_shared>>) offsets(%dma_start3A_235 : memref<128xi32, #tpu.memory_space<vmem>>) semaphore(%arg15 : memref<!tpu.dma_semaphore, #tpu.memory_space<semaphore_mem>>) {add = true}
      %dma_start3A_239 = arith.constant 4 : i32
      %dma_start3A_240 = arith.constant 512 : i32
      %dma_start3A_241 = arith.constant 0 : i32
      %dma_start3A_242 = tpu.memref_slice %arg8[%dma_start3A_240, %dma_start3A_241] : memref<640x16xf32, #tpu.memory_space<vmem>> -> memref<128x16xf32, #tpu.memory_space<vmem>>
      %dma_start3A_243 = arith.constant 0 : i32
      %dma_start3A_244 = tpu.memref_slice %arg6[%dma_start3A_239, %dma_start3A_243] : memref<5x128xi32, #tpu.memory_space<vmem>> -> memref<1x128xi32, #tpu.memory_space<vmem>>
      %dma_start3A_245 = tpu.memref_squeeze %dma_start3A_244 : memref<1x128xi32, #tpu.memory_space<vmem>> -> memref<128xi32, #tpu.memory_space<vmem>>
      %dma_start3A_246 = arith.constant 0 : i32
      %dma_start3A_247 = arith.constant 0 : i32
      %dma_start3A_248 = tpu.memref_slice %arg5[%dma_start3A_246, %dma_start3A_247] : memref<100000x16xf32, #tpu.memory_space<vmem_shared>> -> memref<100000x16xf32, #tpu.memory_space<vmem_shared>>
      tpu.enqueue_indirect_dma source(%dma_start3A_242 : memref<128x16xf32, #tpu.memory_space<vmem>>) target(%dma_start3A_248 : memref<100000x16xf32, #tpu.memory_space<vmem_shared>>) offsets(%dma_start3A_245 : memref<128xi32, #tpu.memory_space<vmem>>) semaphore(%arg15 : memref<!tpu.dma_semaphore, #tpu.memory_space<semaphore_mem>>) {add = true}
      %add3A_249 = arith.constant 1 : i32
      %add3A_250 = arith.addi %add3A_187, %add3A_249 : i32
      %mul3A_251 = arith.constant 5 : i32
      %mul3A_252 = arith.muli %add3A_250, %mul3A_251 : i32
      %add3A_253 = arith.constant 0 : i32
      %add3A_254 = arith.addi %add3A_253, %mul3A_252 : i32
      %dma_wait3A_255 = arith.constant 0 : i32
      %dma_wait3A_256 = tpu.memref_slice %arg2[%add3A_254, %dma_wait3A_255] : memref<12500x128xi32, #tpu.memory_space<hbm>> -> memref<5x128xi32, #tpu.memory_space<hbm>>
      %dma_wait3A_257 = arith.constant 0 : i32
      %dma_wait3A_258 = tpu.memref_slice %arg2[%add3A_254, %dma_wait3A_257] : memref<12500x128xi32, #tpu.memory_space<hbm>> -> memref<5x128xi32, #tpu.memory_space<hbm>>
      tpu.wait_dma2 semaphore(%arg12 : memref<!tpu.dma_semaphore, #tpu.memory_space<semaphore_mem>>) src(%dma_wait3A_258 : memref<5x128xi32, #tpu.memory_space<hbm>>) dst(%arg7 : memref<5x128xi32, #tpu.memory_space<vmem>>)
      %mul3A_259 = arith.constant 640 : i32
      %mul3A_260 = arith.muli %add3A_250, %mul3A_259 : i32
      %dma_wait3A_261 = tpu.memref_slice %arg3[%mul3A_260, %mul3A_0] : memref<1600000x32xf32, #tpu.memory_space<hbm>> -> memref<640x16xf32, #tpu.memory_space<hbm>>
      %dma_wait3A_262 = tpu.memref_slice %arg3[%mul3A_260, %mul3A_0] : memref<1600000x32xf32, #tpu.memory_space<hbm>> -> memref<640x16xf32, #tpu.memory_space<hbm>>
      tpu.wait_dma2 semaphore(%arg14 : memref<!tpu.dma_semaphore, #tpu.memory_space<semaphore_mem>>) src(%dma_wait3A_262 : memref<640x16xf32, #tpu.memory_space<hbm>>) dst(%arg9 : memref<640x16xf32, #tpu.memory_space<vmem>>)
      %dma_start3A_263 = arith.constant 0 : i32
      %dma_start3A_264 = arith.constant 0 : i32
      %dma_start3A_265 = arith.constant 0 : i32
      %dma_start3A_266 = tpu.memref_slice %arg9[%dma_start3A_264, %dma_start3A_265] : memref<640x16xf32, #tpu.memory_space<vmem>> -> memref<128x16xf32, #tpu.memory_space<vmem>>
      %dma_start3A_267 = arith.constant 0 : i32
      %dma_start3A_268 = tpu.memref_slice %arg7[%dma_start3A_263, %dma_start3A_267] : memref<5x128xi32, #tpu.memory_space<vmem>> -> memref<1x128xi32, #tpu.memory_space<vmem>>
      %dma_start3A_269 = tpu.memref_squeeze %dma_start3A_268 : memref<1x128xi32, #tpu.memory_space<vmem>> -> memref<128xi32, #tpu.memory_space<vmem>>
      %dma_start3A_270 = arith.constant 0 : i32
      %dma_start3A_271 = arith.constant 0 : i32
      %dma_start3A_272 = tpu.memref_slice %arg5[%dma_start3A_270, %dma_start3A_271] : memref<100000x16xf32, #tpu.memory_space<vmem_shared>> -> memref<100000x16xf32, #tpu.memory_space<vmem_shared>>
      tpu.enqueue_indirect_dma source(%dma_start3A_266 : memref<128x16xf32, #tpu.memory_space<vmem>>) target(%dma_start3A_272 : memref<100000x16xf32, #tpu.memory_space<vmem_shared>>) offsets(%dma_start3A_269 : memref<128xi32, #tpu.memory_space<vmem>>) semaphore(%arg16 : memref<!tpu.dma_semaphore, #tpu.memory_space<semaphore_mem>>) {add = true}
      %dma_start3A_273 = arith.constant 1 : i32
      %dma_start3A_274 = arith.constant 128 : i32
      %dma_start3A_275 = arith.constant 0 : i32
      %dma_start3A_276 = tpu.memref_slice %arg9[%dma_start3A_274, %dma_start3A_275] : memref<640x16xf32, #tpu.memory_space<vmem>> -> memref<128x16xf32, #tpu.memory_space<vmem>>
      %dma_start3A_277 = arith.constant 0 : i32
      %dma_start3A_278 = tpu.memref_slice %arg7[%dma_start3A_273, %dma_start3A_277] : memref<5x128xi32, #tpu.memory_space<vmem>> -> memref<1x128xi32, #tpu.memory_space<vmem>>
      %dma_start3A_279 = tpu.memref_squeeze %dma_start3A_278 : memref<1x128xi32, #tpu.memory_space<vmem>> -> memref<128xi32, #tpu.memory_space<vmem>>
      %dma_start3A_280 = arith.constant 0 : i32
      %dma_start3A_281 = arith.constant 0 : i32
      %dma_start3A_282 = tpu.memref_slice %arg5[%dma_start3A_280, %dma_start3A_281] : memref<100000x16xf32, #tpu.memory_space<vmem_shared>> -> memref<100000x16xf32, #tpu.memory_space<vmem_shared>>
      tpu.enqueue_indirect_dma source(%dma_start3A_276 : memref<128x16xf32, #tpu.memory_space<vmem>>) target(%dma_start3A_282 : memref<100000x16xf32, #tpu.memory_space<vmem_shared>>) offsets(%dma_start3A_279 : memref<128xi32, #tpu.memory_space<vmem>>) semaphore(%arg16 : memref<!tpu.dma_semaphore, #tpu.memory_space<semaphore_mem>>) {add = true}
      %dma_start3A_283 = arith.constant 2 : i32
      %dma_start3A_284 = arith.constant 256 : i32
      %dma_start3A_285 = arith.constant 0 : i32
      %dma_start3A_286 = tpu.memref_slice %arg9[%dma_start3A_284, %dma_start3A_285] : memref<640x16xf32, #tpu.memory_space<vmem>> -> memref<128x16xf32, #tpu.memory_space<vmem>>
      %dma_start3A_287 = arith.constant 0 : i32
      %dma_start3A_288 = tpu.memref_slice %arg7[%dma_start3A_283, %dma_start3A_287] : memref<5x128xi32, #tpu.memory_space<vmem>> -> memref<1x128xi32, #tpu.memory_space<vmem>>
      %dma_start3A_289 = tpu.memref_squeeze %dma_start3A_288 : memref<1x128xi32, #tpu.memory_space<vmem>> -> memref<128xi32, #tpu.memory_space<vmem>>
      %dma_start3A_290 = arith.constant 0 : i32
      %dma_start3A_291 = arith.constant 0 : i32
      %dma_start3A_292 = tpu.memref_slice %arg5[%dma_start3A_290, %dma_start3A_291] : memref<100000x16xf32, #tpu.memory_space<vmem_shared>> -> memref<100000x16xf32, #tpu.memory_space<vmem_shared>>
      tpu.enqueue_indirect_dma source(%dma_start3A_286 : memref<128x16xf32, #tpu.memory_space<vmem>>) target(%dma_start3A_292 : memref<100000x16xf32, #tpu.memory_space<vmem_shared>>) offsets(%dma_start3A_289 : memref<128xi32, #tpu.memory_space<vmem>>) semaphore(%arg16 : memref<!tpu.dma_semaphore, #tpu.memory_space<semaphore_mem>>) {add = true}
      %dma_start3A_293 = arith.constant 3 : i32
      %dma_start3A_294 = arith.constant 384 : i32
      %dma_start3A_295 = arith.constant 0 : i32
      %dma_start3A_296 = tpu.memref_slice %arg9[%dma_start3A_294, %dma_start3A_295] : memref<640x16xf32, #tpu.memory_space<vmem>> -> memref<128x16xf32, #tpu.memory_space<vmem>>
      %dma_start3A_297 = arith.constant 0 : i32
      %dma_start3A_298 = tpu.memref_slice %arg7[%dma_start3A_293, %dma_start3A_297] : memref<5x128xi32, #tpu.memory_space<vmem>> -> memref<1x128xi32, #tpu.memory_space<vmem>>
      %dma_start3A_299 = tpu.memref_squeeze %dma_start3A_298 : memref<1x128xi32, #tpu.memory_space<vmem>> -> memref<128xi32, #tpu.memory_space<vmem>>
      %dma_start3A_300 = arith.constant 0 : i32
      %dma_start3A_301 = arith.constant 0 : i32
      %dma_start3A_302 = tpu.memref_slice %arg5[%dma_start3A_300, %dma_start3A_301] : memref<100000x16xf32, #tpu.memory_space<vmem_shared>> -> memref<100000x16xf32, #tpu.memory_space<vmem_shared>>
      tpu.enqueue_indirect_dma source(%dma_start3A_296 : memref<128x16xf32, #tpu.memory_space<vmem>>) target(%dma_start3A_302 : memref<100000x16xf32, #tpu.memory_space<vmem_shared>>) offsets(%dma_start3A_299 : memref<128xi32, #tpu.memory_space<vmem>>) semaphore(%arg16 : memref<!tpu.dma_semaphore, #tpu.memory_space<semaphore_mem>>) {add = true}
      %dma_start3A_303 = arith.constant 4 : i32
      %dma_start3A_304 = arith.constant 512 : i32
      %dma_start3A_305 = arith.constant 0 : i32
      %dma_start3A_306 = tpu.memref_slice %arg9[%dma_start3A_304, %dma_start3A_305] : memref<640x16xf32, #tpu.memory_space<vmem>> -> memref<128x16xf32, #tpu.memory_space<vmem>>
      %dma_start3A_307 = arith.constant 0 : i32
      %dma_start3A_308 = tpu.memref_slice %arg7[%dma_start3A_303, %dma_start3A_307] : memref<5x128xi32, #tpu.memory_space<vmem>> -> memref<1x128xi32, #tpu.memory_space<vmem>>
      %dma_start3A_309 = tpu.memref_squeeze %dma_start3A_308 : memref<1x128xi32, #tpu.memory_space<vmem>> -> memref<128xi32, #tpu.memory_space<vmem>>
      %dma_start3A_310 = arith.constant 0 : i32
      %dma_start3A_311 = arith.constant 0 : i32
      %dma_start3A_312 = tpu.memref_slice %arg5[%dma_start3A_310, %dma_start3A_311] : memref<100000x16xf32, #tpu.memory_space<vmem_shared>> -> memref<100000x16xf32, #tpu.memory_space<vmem_shared>>
      tpu.enqueue_indirect_dma source(%dma_start3A_306 : memref<128x16xf32, #tpu.memory_space<vmem>>) target(%dma_start3A_312 : memref<100000x16xf32, #tpu.memory_space<vmem_shared>>) offsets(%dma_start3A_309 : memref<128xi32, #tpu.memory_space<vmem>>) semaphore(%arg16 : memref<!tpu.dma_semaphore, #tpu.memory_space<semaphore_mem>>) {add = true}
      %dma_wait3A_313 = arith.constant 0 : i32
      %dma_wait3A_314 = arith.constant 0 : i32
      %dma_wait3A_315 = arith.constant 0 : i32
      %dma_wait3A_316 = tpu.memref_slice %arg8[%dma_wait3A_314, %dma_wait3A_315] : memref<640x16xf32, #tpu.memory_space<vmem>> -> memref<128x16xf32, #tpu.memory_space<vmem>>
      %dma_wait3A_317 = arith.constant 0 : i32
      %dma_wait3A_318 = tpu.memref_slice %arg6[%dma_wait3A_313, %dma_wait3A_317] : memref<5x128xi32, #tpu.memory_space<vmem>> -> memref<1x128xi32, #tpu.memory_space<vmem>>
      %dma_wait3A_319 = tpu.memref_squeeze %dma_wait3A_318 : memref<1x128xi32, #tpu.memory_space<vmem>> -> memref<128xi32, #tpu.memory_space<vmem>>
      %dma_wait3A_320 = arith.constant 0 : i32
      %dma_wait3A_321 = arith.constant 0 : i32
      %dma_wait3A_322 = tpu.memref_slice %arg5[%dma_wait3A_320, %dma_wait3A_321] : memref<100000x16xf32, #tpu.memory_space<vmem_shared>> -> memref<100000x16xf32, #tpu.memory_space<vmem_shared>>
      tpu.wait_indirect_dma semaphore(%arg15 : memref<!tpu.dma_semaphore, #tpu.memory_space<semaphore_mem>>) src(%dma_wait3A_316 : memref<128x16xf32, #tpu.memory_space<vmem>>) dst(%dma_wait3A_322 : memref<100000x16xf32, #tpu.memory_space<vmem_shared>>)
      %dma_wait3A_323 = arith.constant 1 : i32
      %dma_wait3A_324 = arith.constant 128 : i32
      %dma_wait3A_325 = arith.constant 0 : i32
      %dma_wait3A_326 = tpu.memref_slice %arg8[%dma_wait3A_324, %dma_wait3A_325] : memref<640x16xf32, #tpu.memory_space<vmem>> -> memref<128x16xf32, #tpu.memory_space<vmem>>
      %dma_wait3A_327 = arith.constant 0 : i32
      %dma_wait3A_328 = tpu.memref_slice %arg6[%dma_wait3A_323, %dma_wait3A_327] : memref<5x128xi32, #tpu.memory_space<vmem>> -> memref<1x128xi32, #tpu.memory_space<vmem>>
      %dma_wait3A_329 = tpu.memref_squeeze %dma_wait3A_328 : memref<1x128xi32, #tpu.memory_space<vmem>> -> memref<128xi32, #tpu.memory_space<vmem>>
      %dma_wait3A_330 = arith.constant 0 : i32
      %dma_wait3A_331 = arith.constant 0 : i32
      %dma_wait3A_332 = tpu.memref_slice %arg5[%dma_wait3A_330, %dma_wait3A_331] : memref<100000x16xf32, #tpu.memory_space<vmem_shared>> -> memref<100000x16xf32, #tpu.memory_space<vmem_shared>>
      tpu.wait_indirect_dma semaphore(%arg15 : memref<!tpu.dma_semaphore, #tpu.memory_space<semaphore_mem>>) src(%dma_wait3A_326 : memref<128x16xf32, #tpu.memory_space<vmem>>) dst(%dma_wait3A_332 : memref<100000x16xf32, #tpu.memory_space<vmem_shared>>)
      %dma_wait3A_333 = arith.constant 2 : i32
      %dma_wait3A_334 = arith.constant 256 : i32
      %dma_wait3A_335 = arith.constant 0 : i32
      %dma_wait3A_336 = tpu.memref_slice %arg8[%dma_wait3A_334, %dma_wait3A_335] : memref<640x16xf32, #tpu.memory_space<vmem>> -> memref<128x16xf32, #tpu.memory_space<vmem>>
      %dma_wait3A_337 = arith.constant 0 : i32
      %dma_wait3A_338 = tpu.memref_slice %arg6[%dma_wait3A_333, %dma_wait3A_337] : memref<5x128xi32, #tpu.memory_space<vmem>> -> memref<1x128xi32, #tpu.memory_space<vmem>>
      %dma_wait3A_339 = tpu.memref_squeeze %dma_wait3A_338 : memref<1x128xi32, #tpu.memory_space<vmem>> -> memref<128xi32, #tpu.memory_space<vmem>>
      %dma_wait3A_340 = arith.constant 0 : i32
      %dma_wait3A_341 = arith.constant 0 : i32
      %dma_wait3A_342 = tpu.memref_slice %arg5[%dma_wait3A_340, %dma_wait3A_341] : memref<100000x16xf32, #tpu.memory_space<vmem_shared>> -> memref<100000x16xf32, #tpu.memory_space<vmem_shared>>
      tpu.wait_indirect_dma semaphore(%arg15 : memref<!tpu.dma_semaphore, #tpu.memory_space<semaphore_mem>>) src(%dma_wait3A_336 : memref<128x16xf32, #tpu.memory_space<vmem>>) dst(%dma_wait3A_342 : memref<100000x16xf32, #tpu.memory_space<vmem_shared>>)
      %dma_wait3A_343 = arith.constant 3 : i32
      %dma_wait3A_344 = arith.constant 384 : i32
      %dma_wait3A_345 = arith.constant 0 : i32
      %dma_wait3A_346 = tpu.memref_slice %arg8[%dma_wait3A_344, %dma_wait3A_345] : memref<640x16xf32, #tpu.memory_space<vmem>> -> memref<128x16xf32, #tpu.memory_space<vmem>>
      %dma_wait3A_347 = arith.constant 0 : i32
      %dma_wait3A_348 = tpu.memref_slice %arg6[%dma_wait3A_343, %dma_wait3A_347] : memref<5x128xi32, #tpu.memory_space<vmem>> -> memref<1x128xi32, #tpu.memory_space<vmem>>
      %dma_wait3A_349 = tpu.memref_squeeze %dma_wait3A_348 : memref<1x128xi32, #tpu.memory_space<vmem>> -> memref<128xi32, #tpu.memory_space<vmem>>
      %dma_wait3A_350 = arith.constant 0 : i32
      %dma_wait3A_351 = arith.constant 0 : i32
      %dma_wait3A_352 = tpu.memref_slice %arg5[%dma_wait3A_350, %dma_wait3A_351] : memref<100000x16xf32, #tpu.memory_space<vmem_shared>> -> memref<100000x16xf32, #tpu.memory_space<vmem_shared>>
      tpu.wait_indirect_dma semaphore(%arg15 : memref<!tpu.dma_semaphore, #tpu.memory_space<semaphore_mem>>) src(%dma_wait3A_346 : memref<128x16xf32, #tpu.memory_space<vmem>>) dst(%dma_wait3A_352 : memref<100000x16xf32, #tpu.memory_space<vmem_shared>>)
      %dma_wait3A_353 = arith.constant 4 : i32
      %dma_wait3A_354 = arith.constant 512 : i32
      %dma_wait3A_355 = arith.constant 0 : i32
      %dma_wait3A_356 = tpu.memref_slice %arg8[%dma_wait3A_354, %dma_wait3A_355] : memref<640x16xf32, #tpu.memory_space<vmem>> -> memref<128x16xf32, #tpu.memory_space<vmem>>
      %dma_wait3A_357 = arith.constant 0 : i32
      %dma_wait3A_358 = tpu.memref_slice %arg6[%dma_wait3A_353, %dma_wait3A_357] : memref<5x128xi32, #tpu.memory_space<vmem>> -> memref<1x128xi32, #tpu.memory_space<vmem>>
      %dma_wait3A_359 = tpu.memref_squeeze %dma_wait3A_358 : memref<1x128xi32, #tpu.memory_space<vmem>> -> memref<128xi32, #tpu.memory_space<vmem>>
      %dma_wait3A_360 = arith.constant 0 : i32
      %dma_wait3A_361 = arith.constant 0 : i32
      %dma_wait3A_362 = tpu.memref_slice %arg5[%dma_wait3A_360, %dma_wait3A_361] : memref<100000x16xf32, #tpu.memory_space<vmem_shared>> -> memref<100000x16xf32, #tpu.memory_space<vmem_shared>>
      tpu.wait_indirect_dma semaphore(%arg15 : memref<!tpu.dma_semaphore, #tpu.memory_space<semaphore_mem>>) src(%dma_wait3A_356 : memref<128x16xf32, #tpu.memory_space<vmem>>) dst(%dma_wait3A_362 : memref<100000x16xf32, #tpu.memory_space<vmem_shared>>)
      %add3A_363 = arith.constant 2 : i32
      %add3A_364 = arith.addi %add3A_187, %add3A_363 : i32
      %lt3A_365 = arith.cmpi slt, %add3A_364, %select_n3A_45 : i32
      %convert_element_type3A_366 = arith.extui %lt3A_365 : i1 to i32
      %cond3A_367 = arith.constant 0 : i32
      %cond3A_368 = arith.cmpi ne, %convert_element_type3A_366, %cond3A_367 : i32
      scf.if %cond3A_368 {
        %add3A_425 = arith.constant 2 : i32
        %add3A_426 = arith.addi %add3A_187, %add3A_425 : i32
        %mul3A_427 = arith.constant 5 : i32
        %mul3A_428 = arith.muli %add3A_426, %mul3A_427 : i32
        %add3A_429 = arith.constant 0 : i32
        %add3A_430 = arith.addi %add3A_429, %mul3A_428 : i32
        %dma_start3A_431 = arith.constant 0 : i32
        %dma_start3A_432 = tpu.memref_slice %arg2[%add3A_430, %dma_start3A_431] : memref<12500x128xi32, #tpu.memory_space<hbm>> -> memref<5x128xi32, #tpu.memory_space<hbm>>
        %dma_start3A_433 = arith.constant 0 : i32
        %dma_start3A_434 = tpu.memref_slice %arg2[%add3A_430, %dma_start3A_433] : memref<12500x128xi32, #tpu.memory_space<hbm>> -> memref<5x128xi32, #tpu.memory_space<hbm>>
        tpu.enqueue_dma source(%dma_start3A_434 : memref<5x128xi32, #tpu.memory_space<hbm>>) target(%arg6 : memref<5x128xi32, #tpu.memory_space<vmem>>) target_semaphore(%arg11 : memref<!tpu.dma_semaphore, #tpu.memory_space<semaphore_mem>>)
        %mul3A_435 = arith.constant 640 : i32
        %mul3A_436 = arith.muli %add3A_426, %mul3A_435 : i32
        %dma_start3A_437 = tpu.memref_slice %arg3[%mul3A_436, %mul3A_0] : memref<1600000x32xf32, #tpu.memory_space<hbm>> -> memref<640x16xf32, #tpu.memory_space<hbm>>
        %dma_start3A_438 = tpu.memref_slice %arg3[%mul3A_436, %mul3A_0] : memref<1600000x32xf32, #tpu.memory_space<hbm>> -> memref<640x16xf32, #tpu.memory_space<hbm>>
        tpu.enqueue_dma source(%dma_start3A_438 : memref<640x16xf32, #tpu.memory_space<hbm>>) target(%arg8 : memref<640x16xf32, #tpu.memory_space<vmem>>) target_semaphore(%arg13 : memref<!tpu.dma_semaphore, #tpu.memory_space<semaphore_mem>>)
      } else {
      }
      %dma_wait3A_369 = arith.constant 0 : i32
      %dma_wait3A_370 = arith.constant 0 : i32
      %dma_wait3A_371 = arith.constant 0 : i32
      %dma_wait3A_372 = tpu.memref_slice %arg9[%dma_wait3A_370, %dma_wait3A_371] : memref<640x16xf32, #tpu.memory_space<vmem>> -> memref<128x16xf32, #tpu.memory_space<vmem>>
      %dma_wait3A_373 = arith.constant 0 : i32
      %dma_wait3A_374 = tpu.memref_slice %arg7[%dma_wait3A_369, %dma_wait3A_373] : memref<5x128xi32, #tpu.memory_space<vmem>> -> memref<1x128xi32, #tpu.memory_space<vmem>>
      %dma_wait3A_375 = tpu.memref_squeeze %dma_wait3A_374 : memref<1x128xi32, #tpu.memory_space<vmem>> -> memref<128xi32, #tpu.memory_space<vmem>>
      %dma_wait3A_376 = arith.constant 0 : i32
      %dma_wait3A_377 = arith.constant 0 : i32
      %dma_wait3A_378 = tpu.memref_slice %arg5[%dma_wait3A_376, %dma_wait3A_377] : memref<100000x16xf32, #tpu.memory_space<vmem_shared>> -> memref<100000x16xf32, #tpu.memory_space<vmem_shared>>
      tpu.wait_indirect_dma semaphore(%arg16 : memref<!tpu.dma_semaphore, #tpu.memory_space<semaphore_mem>>) src(%dma_wait3A_372 : memref<128x16xf32, #tpu.memory_space<vmem>>) dst(%dma_wait3A_378 : memref<100000x16xf32, #tpu.memory_space<vmem_shared>>)
      %dma_wait3A_379 = arith.constant 1 : i32
      %dma_wait3A_380 = arith.constant 128 : i32
      %dma_wait3A_381 = arith.constant 0 : i32
      %dma_wait3A_382 = tpu.memref_slice %arg9[%dma_wait3A_380, %dma_wait3A_381] : memref<640x16xf32, #tpu.memory_space<vmem>> -> memref<128x16xf32, #tpu.memory_space<vmem>>
      %dma_wait3A_383 = arith.constant 0 : i32
      %dma_wait3A_384 = tpu.memref_slice %arg7[%dma_wait3A_379, %dma_wait3A_383] : memref<5x128xi32, #tpu.memory_space<vmem>> -> memref<1x128xi32, #tpu.memory_space<vmem>>
      %dma_wait3A_385 = tpu.memref_squeeze %dma_wait3A_384 : memref<1x128xi32, #tpu.memory_space<vmem>> -> memref<128xi32, #tpu.memory_space<vmem>>
      %dma_wait3A_386 = arith.constant 0 : i32
      %dma_wait3A_387 = arith.constant 0 : i32
      %dma_wait3A_388 = tpu.memref_slice %arg5[%dma_wait3A_386, %dma_wait3A_387] : memref<100000x16xf32, #tpu.memory_space<vmem_shared>> -> memref<100000x16xf32, #tpu.memory_space<vmem_shared>>
      tpu.wait_indirect_dma semaphore(%arg16 : memref<!tpu.dma_semaphore, #tpu.memory_space<semaphore_mem>>) src(%dma_wait3A_382 : memref<128x16xf32, #tpu.memory_space<vmem>>) dst(%dma_wait3A_388 : memref<100000x16xf32, #tpu.memory_space<vmem_shared>>)
      %dma_wait3A_389 = arith.constant 2 : i32
      %dma_wait3A_390 = arith.constant 256 : i32
      %dma_wait3A_391 = arith.constant 0 : i32
      %dma_wait3A_392 = tpu.memref_slice %arg9[%dma_wait3A_390, %dma_wait3A_391] : memref<640x16xf32, #tpu.memory_space<vmem>> -> memref<128x16xf32, #tpu.memory_space<vmem>>
      %dma_wait3A_393 = arith.constant 0 : i32
      %dma_wait3A_394 = tpu.memref_slice %arg7[%dma_wait3A_389, %dma_wait3A_393] : memref<5x128xi32, #tpu.memory_space<vmem>> -> memref<1x128xi32, #tpu.memory_space<vmem>>
      %dma_wait3A_395 = tpu.memref_squeeze %dma_wait3A_394 : memref<1x128xi32, #tpu.memory_space<vmem>> -> memref<128xi32, #tpu.memory_space<vmem>>
      %dma_wait3A_396 = arith.constant 0 : i32
      %dma_wait3A_397 = arith.constant 0 : i32
      %dma_wait3A_398 = tpu.memref_slice %arg5[%dma_wait3A_396, %dma_wait3A_397] : memref<100000x16xf32, #tpu.memory_space<vmem_shared>> -> memref<100000x16xf32, #tpu.memory_space<vmem_shared>>
      tpu.wait_indirect_dma semaphore(%arg16 : memref<!tpu.dma_semaphore, #tpu.memory_space<semaphore_mem>>) src(%dma_wait3A_392 : memref<128x16xf32, #tpu.memory_space<vmem>>) dst(%dma_wait3A_398 : memref<100000x16xf32, #tpu.memory_space<vmem_shared>>)
      %dma_wait3A_399 = arith.constant 3 : i32
      %dma_wait3A_400 = arith.constant 384 : i32
      %dma_wait3A_401 = arith.constant 0 : i32
      %dma_wait3A_402 = tpu.memref_slice %arg9[%dma_wait3A_400, %dma_wait3A_401] : memref<640x16xf32, #tpu.memory_space<vmem>> -> memref<128x16xf32, #tpu.memory_space<vmem>>
      %dma_wait3A_403 = arith.constant 0 : i32
      %dma_wait3A_404 = tpu.memref_slice %arg7[%dma_wait3A_399, %dma_wait3A_403] : memref<5x128xi32, #tpu.memory_space<vmem>> -> memref<1x128xi32, #tpu.memory_space<vmem>>
      %dma_wait3A_405 = tpu.memref_squeeze %dma_wait3A_404 : memref<1x128xi32, #tpu.memory_space<vmem>> -> memref<128xi32, #tpu.memory_space<vmem>>
      %dma_wait3A_406 = arith.constant 0 : i32
      %dma_wait3A_407 = arith.constant 0 : i32
      %dma_wait3A_408 = tpu.memref_slice %arg5[%dma_wait3A_406, %dma_wait3A_407] : memref<100000x16xf32, #tpu.memory_space<vmem_shared>> -> memref<100000x16xf32, #tpu.memory_space<vmem_shared>>
      tpu.wait_indirect_dma semaphore(%arg16 : memref<!tpu.dma_semaphore, #tpu.memory_space<semaphore_mem>>) src(%dma_wait3A_402 : memref<128x16xf32, #tpu.memory_space<vmem>>) dst(%dma_wait3A_408 : memref<100000x16xf32, #tpu.memory_space<vmem_shared>>)
      %dma_wait3A_409 = arith.constant 4 : i32
      %dma_wait3A_410 = arith.constant 512 : i32
      %dma_wait3A_411 = arith.constant 0 : i32
      %dma_wait3A_412 = tpu.memref_slice %arg9[%dma_wait3A_410, %dma_wait3A_411] : memref<640x16xf32, #tpu.memory_space<vmem>> -> memref<128x16xf32, #tpu.memory_space<vmem>>
      %dma_wait3A_413 = arith.constant 0 : i32
      %dma_wait3A_414 = tpu.memref_slice %arg7[%dma_wait3A_409, %dma_wait3A_413] : memref<5x128xi32, #tpu.memory_space<vmem>> -> memref<1x128xi32, #tpu.memory_space<vmem>>
      %dma_wait3A_415 = tpu.memref_squeeze %dma_wait3A_414 : memref<1x128xi32, #tpu.memory_space<vmem>> -> memref<128xi32, #tpu.memory_space<vmem>>
      %dma_wait3A_416 = arith.constant 0 : i32
      %dma_wait3A_417 = arith.constant 0 : i32
      %dma_wait3A_418 = tpu.memref_slice %arg5[%dma_wait3A_416, %dma_wait3A_417] : memref<100000x16xf32, #tpu.memory_space<vmem_shared>> -> memref<100000x16xf32, #tpu.memory_space<vmem_shared>>
      tpu.wait_indirect_dma semaphore(%arg16 : memref<!tpu.dma_semaphore, #tpu.memory_space<semaphore_mem>>) src(%dma_wait3A_412 : memref<128x16xf32, #tpu.memory_space<vmem>>) dst(%dma_wait3A_418 : memref<100000x16xf32, #tpu.memory_space<vmem_shared>>)
      %add3A_419 = arith.constant 3 : i32
      %add3A_420 = arith.addi %add3A_187, %add3A_419 : i32
      %lt3A_421 = arith.cmpi slt, %add3A_420, %select_n3A_45 : i32
      %convert_element_type3A_422 = arith.extui %lt3A_421 : i1 to i32
      %cond3A_423 = arith.constant 0 : i32
      %cond3A_424 = arith.cmpi ne, %convert_element_type3A_422, %cond3A_423 : i32
      scf.if %cond3A_424 {
        %add3A_425 = arith.constant 3 : i32
        %add3A_426 = arith.addi %add3A_187, %add3A_425 : i32
        %mul3A_427 = arith.constant 5 : i32
        %mul3A_428 = arith.muli %add3A_426, %mul3A_427 : i32
        %add3A_429 = arith.constant 0 : i32
        %add3A_430 = arith.addi %add3A_429, %mul3A_428 : i32
        %dma_start3A_431 = arith.constant 0 : i32
        %dma_start3A_432 = tpu.memref_slice %arg2[%add3A_430, %dma_start3A_431] : memref<12500x128xi32, #tpu.memory_space<hbm>> -> memref<5x128xi32, #tpu.memory_space<hbm>>
        %dma_start3A_433 = arith.constant 0 : i32
        %dma_start3A_434 = tpu.memref_slice %arg2[%add3A_430, %dma_start3A_433] : memref<12500x128xi32, #tpu.memory_space<hbm>> -> memref<5x128xi32, #tpu.memory_space<hbm>>
        tpu.enqueue_dma source(%dma_start3A_434 : memref<5x128xi32, #tpu.memory_space<hbm>>) target(%arg7 : memref<5x128xi32, #tpu.memory_space<vmem>>) target_semaphore(%arg12 : memref<!tpu.dma_semaphore, #tpu.memory_space<semaphore_mem>>)
        %mul3A_435 = arith.constant 640 : i32
        %mul3A_436 = arith.muli %add3A_426, %mul3A_435 : i32
        %dma_start3A_437 = tpu.memref_slice %arg3[%mul3A_436, %mul3A_0] : memref<1600000x32xf32, #tpu.memory_space<hbm>> -> memref<640x16xf32, #tpu.memory_space<hbm>>
        %dma_start3A_438 = tpu.memref_slice %arg3[%mul3A_436, %mul3A_0] : memref<1600000x32xf32, #tpu.memory_space<hbm>> -> memref<640x16xf32, #tpu.memory_space<hbm>>
        tpu.enqueue_dma source(%dma_start3A_438 : memref<640x16xf32, #tpu.memory_space<hbm>>) target(%arg9 : memref<640x16xf32, #tpu.memory_space<vmem>>) target_semaphore(%arg14 : memref<!tpu.dma_semaphore, #tpu.memory_space<semaphore_mem>>)
      } else {
      }
    }
    %while3A_163 = arith.constant 1 : i32
    scf.for %while3A_184 = %while3A_161 to %while3A_157 step %while3A_163  : i32 {
      %mul3A_185 = arith.constant 2 : i32
      %mul3A_186 = arith.muli %mul3A_185, %while3A_184 : i32
      %add3A_187 = arith.addi %select_n3A, %mul3A_186 : i32
      %mul3A_188 = arith.constant 5 : i32
      %mul3A_189 = arith.muli %add3A_187, %mul3A_188 : i32
      %add3A_190 = arith.constant 0 : i32
      %add3A_191 = arith.addi %add3A_190, %mul3A_189 : i32
      %dma_wait3A = arith.constant 0 : i32
      %dma_wait3A_192 = tpu.memref_slice %arg2[%add3A_191, %dma_wait3A] : memref<12500x128xi32, #tpu.memory_space<hbm>> -> memref<5x128xi32, #tpu.memory_space<hbm>>
      %dma_wait3A_193 = arith.constant 0 : i32
      %dma_wait3A_194 = tpu.memref_slice %arg2[%add3A_191, %dma_wait3A_193] : memref<12500x128xi32, #tpu.memory_space<hbm>> -> memref<5x128xi32, #tpu.memory_space<hbm>>
      tpu.wait_dma2 semaphore(%arg11 : memref<!tpu.dma_semaphore, #tpu.memory_space<semaphore_mem>>) src(%dma_wait3A_194 : memref<5x128xi32, #tpu.memory_space<hbm>>) dst(%arg6 : memref<5x128xi32, #tpu.memory_space<vmem>>)
      %mul3A_195 = arith.constant 640 : i32
      %mul3A_196 = arith.muli %add3A_187, %mul3A_195 : i32
      %dma_wait3A_197 = tpu.memref_slice %arg3[%mul3A_196, %mul3A_0] : memref<1600000x32xf32, #tpu.memory_space<hbm>> -> memref<640x16xf32, #tpu.memory_space<hbm>>
      %dma_wait3A_198 = tpu.memref_slice %arg3[%mul3A_196, %mul3A_0] : memref<1600000x32xf32, #tpu.memory_space<hbm>> -> memref<640x16xf32, #tpu.memory_space<hbm>>
      tpu.wait_dma2 semaphore(%arg13 : memref<!tpu.dma_semaphore, #tpu.memory_space<semaphore_mem>>) src(%dma_wait3A_198 : memref<640x16xf32, #tpu.memory_space<hbm>>) dst(%arg8 : memref<640x16xf32, #tpu.memory_space<vmem>>)
      %dma_start3A_199 = arith.constant 0 : i32
      %dma_start3A_200 = arith.constant 0 : i32
      %dma_start3A_201 = arith.constant 0 : i32
      %dma_start3A_202 = tpu.memref_slice %arg8[%dma_start3A_200, %dma_start3A_201] : memref<640x16xf32, #tpu.memory_space<vmem>> -> memref<128x16xf32, #tpu.memory_space<vmem>>
      %dma_start3A_203 = arith.constant 0 : i32
      %dma_start3A_204 = tpu.memref_slice %arg6[%dma_start3A_199, %dma_start3A_203] : memref<5x128xi32, #tpu.memory_space<vmem>> -> memref<1x128xi32, #tpu.memory_space<vmem>>
      %dma_start3A_205 = tpu.memref_squeeze %dma_start3A_204 : memref<1x128xi32, #tpu.memory_space<vmem>> -> memref<128xi32, #tpu.memory_space<vmem>>
      %dma_start3A_206 = arith.constant 0 : i32
      %dma_start3A_207 = arith.constant 0 : i32
      %dma_start3A_208 = tpu.memref_slice %arg5[%dma_start3A_206, %dma_start3A_207] : memref<100000x16xf32, #tpu.memory_space<vmem_shared>> -> memref<100000x16xf32, #tpu.memory_space<vmem_shared>>
      tpu.enqueue_indirect_dma source(%dma_start3A_202 : memref<128x16xf32, #tpu.memory_space<vmem>>) target(%dma_start3A_208 : memref<100000x16xf32, #tpu.memory_space<vmem_shared>>) offsets(%dma_start3A_205 : memref<128xi32, #tpu.memory_space<vmem>>) semaphore(%arg15 : memref<!tpu.dma_semaphore, #tpu.memory_space<semaphore_mem>>) {add = true}
      %dma_start3A_209 = arith.constant 1 : i32
      %dma_start3A_210 = arith.constant 128 : i32
      %dma_start3A_211 = arith.constant 0 : i32
      %dma_start3A_212 = tpu.memref_slice %arg8[%dma_start3A_210, %dma_start3A_211] : memref<640x16xf32, #tpu.memory_space<vmem>> -> memref<128x16xf32, #tpu.memory_space<vmem>>
      %dma_start3A_213 = arith.constant 0 : i32
      %dma_start3A_214 = tpu.memref_slice %arg6[%dma_start3A_209, %dma_start3A_213] : memref<5x128xi32, #tpu.memory_space<vmem>> -> memref<1x128xi32, #tpu.memory_space<vmem>>
      %dma_start3A_215 = tpu.memref_squeeze %dma_start3A_214 : memref<1x128xi32, #tpu.memory_space<vmem>> -> memref<128xi32, #tpu.memory_space<vmem>>
      %dma_start3A_216 = arith.constant 0 : i32
      %dma_start3A_217 = arith.constant 0 : i32
      %dma_start3A_218 = tpu.memref_slice %arg5[%dma_start3A_216, %dma_start3A_217] : memref<100000x16xf32, #tpu.memory_space<vmem_shared>> -> memref<100000x16xf32, #tpu.memory_space<vmem_shared>>
      tpu.enqueue_indirect_dma source(%dma_start3A_212 : memref<128x16xf32, #tpu.memory_space<vmem>>) target(%dma_start3A_218 : memref<100000x16xf32, #tpu.memory_space<vmem_shared>>) offsets(%dma_start3A_215 : memref<128xi32, #tpu.memory_space<vmem>>) semaphore(%arg15 : memref<!tpu.dma_semaphore, #tpu.memory_space<semaphore_mem>>) {add = true}
      %dma_start3A_219 = arith.constant 2 : i32
      %dma_start3A_220 = arith.constant 256 : i32
      %dma_start3A_221 = arith.constant 0 : i32
      %dma_start3A_222 = tpu.memref_slice %arg8[%dma_start3A_220, %dma_start3A_221] : memref<640x16xf32, #tpu.memory_space<vmem>> -> memref<128x16xf32, #tpu.memory_space<vmem>>
      %dma_start3A_223 = arith.constant 0 : i32
      %dma_start3A_224 = tpu.memref_slice %arg6[%dma_start3A_219, %dma_start3A_223] : memref<5x128xi32, #tpu.memory_space<vmem>> -> memref<1x128xi32, #tpu.memory_space<vmem>>
      %dma_start3A_225 = tpu.memref_squeeze %dma_start3A_224 : memref<1x128xi32, #tpu.memory_space<vmem>> -> memref<128xi32, #tpu.memory_space<vmem>>
      %dma_start3A_226 = arith.constant 0 : i32
      %dma_start3A_227 = arith.constant 0 : i32
      %dma_start3A_228 = tpu.memref_slice %arg5[%dma_start3A_226, %dma_start3A_227] : memref<100000x16xf32, #tpu.memory_space<vmem_shared>> -> memref<100000x16xf32, #tpu.memory_space<vmem_shared>>
      tpu.enqueue_indirect_dma source(%dma_start3A_222 : memref<128x16xf32, #tpu.memory_space<vmem>>) target(%dma_start3A_228 : memref<100000x16xf32, #tpu.memory_space<vmem_shared>>) offsets(%dma_start3A_225 : memref<128xi32, #tpu.memory_space<vmem>>) semaphore(%arg15 : memref<!tpu.dma_semaphore, #tpu.memory_space<semaphore_mem>>) {add = true}
      %dma_start3A_229 = arith.constant 3 : i32
      %dma_start3A_230 = arith.constant 384 : i32
      %dma_start3A_231 = arith.constant 0 : i32
      %dma_start3A_232 = tpu.memref_slice %arg8[%dma_start3A_230, %dma_start3A_231] : memref<640x16xf32, #tpu.memory_space<vmem>> -> memref<128x16xf32, #tpu.memory_space<vmem>>
      %dma_start3A_233 = arith.constant 0 : i32
      %dma_start3A_234 = tpu.memref_slice %arg6[%dma_start3A_229, %dma_start3A_233] : memref<5x128xi32, #tpu.memory_space<vmem>> -> memref<1x128xi32, #tpu.memory_space<vmem>>
      %dma_start3A_235 = tpu.memref_squeeze %dma_start3A_234 : memref<1x128xi32, #tpu.memory_space<vmem>> -> memref<128xi32, #tpu.memory_space<vmem>>
      %dma_start3A_236 = arith.constant 0 : i32
      %dma_start3A_237 = arith.constant 0 : i32
      %dma_start3A_238 = tpu.memref_slice %arg5[%dma_start3A_236, %dma_start3A_237] : memref<100000x16xf32, #tpu.memory_space<vmem_shared>> -> memref<100000x16xf32, #tpu.memory_space<vmem_shared>>
      tpu.enqueue_indirect_dma source(%dma_start3A_232 : memref<128x16xf32, #tpu.memory_space<vmem>>) target(%dma_start3A_238 : memref<100000x16xf32, #tpu.memory_space<vmem_shared>>) offsets(%dma_start3A_235 : memref<128xi32, #tpu.memory_space<vmem>>) semaphore(%arg15 : memref<!tpu.dma_semaphore, #tpu.memory_space<semaphore_mem>>) {add = true}
      %dma_start3A_239 = arith.constant 4 : i32
      %dma_start3A_240 = arith.constant 512 : i32
      %dma_start3A_241 = arith.constant 0 : i32
      %dma_start3A_242 = tpu.memref_slice %arg8[%dma_start3A_240, %dma_start3A_241] : memref<640x16xf32, #tpu.memory_space<vmem>> -> memref<128x16xf32, #tpu.memory_space<vmem>>
      %dma_start3A_243 = arith.constant 0 : i32
      %dma_start3A_244 = tpu.memref_slice %arg6[%dma_start3A_239, %dma_start3A_243] : memref<5x128xi32, #tpu.memory_space<vmem>> -> memref<1x128xi32, #tpu.memory_space<vmem>>
      %dma_start3A_245 = tpu.memref_squeeze %dma_start3A_244 : memref<1x128xi32, #tpu.memory_space<vmem>> -> memref<128xi32, #tpu.memory_space<vmem>>
      %dma_start3A_246 = arith.constant 0 : i32
      %dma_start3A_247 = arith.constant 0 : i32
      %dma_start3A_248 = tpu.memref_slice %arg5[%dma_start3A_246, %dma_start3A_247] : memref<100000x16xf32, #tpu.memory_space<vmem_shared>> -> memref<100000x16xf32, #tpu.memory_space<vmem_shared>>
      tpu.enqueue_indirect_dma source(%dma_start3A_242 : memref<128x16xf32, #tpu.memory_space<vmem>>) target(%dma_start3A_248 : memref<100000x16xf32, #tpu.memory_space<vmem_shared>>) offsets(%dma_start3A_245 : memref<128xi32, #tpu.memory_space<vmem>>) semaphore(%arg15 : memref<!tpu.dma_semaphore, #tpu.memory_space<semaphore_mem>>) {add = true}
      %add3A_249 = arith.constant 1 : i32
      %add3A_250 = arith.addi %add3A_187, %add3A_249 : i32
      %mul3A_251 = arith.constant 5 : i32
      %mul3A_252 = arith.muli %add3A_250, %mul3A_251 : i32
      %add3A_253 = arith.constant 0 : i32
      %add3A_254 = arith.addi %add3A_253, %mul3A_252 : i32
      %dma_wait3A_255 = arith.constant 0 : i32
      %dma_wait3A_256 = tpu.memref_slice %arg2[%add3A_254, %dma_wait3A_255] : memref<12500x128xi32, #tpu.memory_space<hbm>> -> memref<5x128xi32, #tpu.memory_space<hbm>>
      %dma_wait3A_257 = arith.constant 0 : i32
      %dma_wait3A_258 = tpu.memref_slice %arg2[%add3A_254, %dma_wait3A_257] : memref<12500x128xi32, #tpu.memory_space<hbm>> -> memref<5x128xi32, #tpu.memory_space<hbm>>
      tpu.wait_dma2 semaphore(%arg12 : memref<!tpu.dma_semaphore, #tpu.memory_space<semaphore_mem>>) src(%dma_wait3A_258 : memref<5x128xi32, #tpu.memory_space<hbm>>) dst(%arg7 : memref<5x128xi32, #tpu.memory_space<vmem>>)
      %mul3A_259 = arith.constant 640 : i32
      %mul3A_260 = arith.muli %add3A_250, %mul3A_259 : i32
      %dma_wait3A_261 = tpu.memref_slice %arg3[%mul3A_260, %mul3A_0] : memref<1600000x32xf32, #tpu.memory_space<hbm>> -> memref<640x16xf32, #tpu.memory_space<hbm>>
      %dma_wait3A_262 = tpu.memref_slice %arg3[%mul3A_260, %mul3A_0] : memref<1600000x32xf32, #tpu.memory_space<hbm>> -> memref<640x16xf32, #tpu.memory_space<hbm>>
      tpu.wait_dma2 semaphore(%arg14 : memref<!tpu.dma_semaphore, #tpu.memory_space<semaphore_mem>>) src(%dma_wait3A_262 : memref<640x16xf32, #tpu.memory_space<hbm>>) dst(%arg9 : memref<640x16xf32, #tpu.memory_space<vmem>>)
      %dma_start3A_263 = arith.constant 0 : i32
      %dma_start3A_264 = arith.constant 0 : i32
      %dma_start3A_265 = arith.constant 0 : i32
      %dma_start3A_266 = tpu.memref_slice %arg9[%dma_start3A_264, %dma_start3A_265] : memref<640x16xf32, #tpu.memory_space<vmem>> -> memref<128x16xf32, #tpu.memory_space<vmem>>
      %dma_start3A_267 = arith.constant 0 : i32
      %dma_start3A_268 = tpu.memref_slice %arg7[%dma_start3A_263, %dma_start3A_267] : memref<5x128xi32, #tpu.memory_space<vmem>> -> memref<1x128xi32, #tpu.memory_space<vmem>>
      %dma_start3A_269 = tpu.memref_squeeze %dma_start3A_268 : memref<1x128xi32, #tpu.memory_space<vmem>> -> memref<128xi32, #tpu.memory_space<vmem>>
      %dma_start3A_270 = arith.constant 0 : i32
      %dma_start3A_271 = arith.constant 0 : i32
      %dma_start3A_272 = tpu.memref_slice %arg5[%dma_start3A_270, %dma_start3A_271] : memref<100000x16xf32, #tpu.memory_space<vmem_shared>> -> memref<100000x16xf32, #tpu.memory_space<vmem_shared>>
      tpu.enqueue_indirect_dma source(%dma_start3A_266 : memref<128x16xf32, #tpu.memory_space<vmem>>) target(%dma_start3A_272 : memref<100000x16xf32, #tpu.memory_space<vmem_shared>>) offsets(%dma_start3A_269 : memref<128xi32, #tpu.memory_space<vmem>>) semaphore(%arg16 : memref<!tpu.dma_semaphore, #tpu.memory_space<semaphore_mem>>) {add = true}
      %dma_start3A_273 = arith.constant 1 : i32
      %dma_start3A_274 = arith.constant 128 : i32
      %dma_start3A_275 = arith.constant 0 : i32
      %dma_start3A_276 = tpu.memref_slice %arg9[%dma_start3A_274, %dma_start3A_275] : memref<640x16xf32, #tpu.memory_space<vmem>> -> memref<128x16xf32, #tpu.memory_space<vmem>>
      %dma_start3A_277 = arith.constant 0 : i32
      %dma_start3A_278 = tpu.memref_slice %arg7[%dma_start3A_273, %dma_start3A_277] : memref<5x128xi32, #tpu.memory_space<vmem>> -> memref<1x128xi32, #tpu.memory_space<vmem>>
      %dma_start3A_279 = tpu.memref_squeeze %dma_start3A_278 : memref<1x128xi32, #tpu.memory_space<vmem>> -> memref<128xi32, #tpu.memory_space<vmem>>
      %dma_start3A_280 = arith.constant 0 : i32
      %dma_start3A_281 = arith.constant 0 : i32
      %dma_start3A_282 = tpu.memref_slice %arg5[%dma_start3A_280, %dma_start3A_281] : memref<100000x16xf32, #tpu.memory_space<vmem_shared>> -> memref<100000x16xf32, #tpu.memory_space<vmem_shared>>
      tpu.enqueue_indirect_dma source(%dma_start3A_276 : memref<128x16xf32, #tpu.memory_space<vmem>>) target(%dma_start3A_282 : memref<100000x16xf32, #tpu.memory_space<vmem_shared>>) offsets(%dma_start3A_279 : memref<128xi32, #tpu.memory_space<vmem>>) semaphore(%arg16 : memref<!tpu.dma_semaphore, #tpu.memory_space<semaphore_mem>>) {add = true}
      %dma_start3A_283 = arith.constant 2 : i32
      %dma_start3A_284 = arith.constant 256 : i32
      %dma_start3A_285 = arith.constant 0 : i32
      %dma_start3A_286 = tpu.memref_slice %arg9[%dma_start3A_284, %dma_start3A_285] : memref<640x16xf32, #tpu.memory_space<vmem>> -> memref<128x16xf32, #tpu.memory_space<vmem>>
      %dma_start3A_287 = arith.constant 0 : i32
      %dma_start3A_288 = tpu.memref_slice %arg7[%dma_start3A_283, %dma_start3A_287] : memref<5x128xi32, #tpu.memory_space<vmem>> -> memref<1x128xi32, #tpu.memory_space<vmem>>
      %dma_start3A_289 = tpu.memref_squeeze %dma_start3A_288 : memref<1x128xi32, #tpu.memory_space<vmem>> -> memref<128xi32, #tpu.memory_space<vmem>>
      %dma_start3A_290 = arith.constant 0 : i32
      %dma_start3A_291 = arith.constant 0 : i32
      %dma_start3A_292 = tpu.memref_slice %arg5[%dma_start3A_290, %dma_start3A_291] : memref<100000x16xf32, #tpu.memory_space<vmem_shared>> -> memref<100000x16xf32, #tpu.memory_space<vmem_shared>>
      tpu.enqueue_indirect_dma source(%dma_start3A_286 : memref<128x16xf32, #tpu.memory_space<vmem>>) target(%dma_start3A_292 : memref<100000x16xf32, #tpu.memory_space<vmem_shared>>) offsets(%dma_start3A_289 : memref<128xi32, #tpu.memory_space<vmem>>) semaphore(%arg16 : memref<!tpu.dma_semaphore, #tpu.memory_space<semaphore_mem>>) {add = true}
      %dma_start3A_293 = arith.constant 3 : i32
      %dma_start3A_294 = arith.constant 384 : i32
      %dma_start3A_295 = arith.constant 0 : i32
      %dma_start3A_296 = tpu.memref_slice %arg9[%dma_start3A_294, %dma_start3A_295] : memref<640x16xf32, #tpu.memory_space<vmem>> -> memref<128x16xf32, #tpu.memory_space<vmem>>
      %dma_start3A_297 = arith.constant 0 : i32
      %dma_start3A_298 = tpu.memref_slice %arg7[%dma_start3A_293, %dma_start3A_297] : memref<5x128xi32, #tpu.memory_space<vmem>> -> memref<1x128xi32, #tpu.memory_space<vmem>>
      %dma_start3A_299 = tpu.memref_squeeze %dma_start3A_298 : memref<1x128xi32, #tpu.memory_space<vmem>> -> memref<128xi32, #tpu.memory_space<vmem>>
      %dma_start3A_300 = arith.constant 0 : i32
      %dma_start3A_301 = arith.constant 0 : i32
      %dma_start3A_302 = tpu.memref_slice %arg5[%dma_start3A_300, %dma_start3A_301] : memref<100000x16xf32, #tpu.memory_space<vmem_shared>> -> memref<100000x16xf32, #tpu.memory_space<vmem_shared>>
      tpu.enqueue_indirect_dma source(%dma_start3A_296 : memref<128x16xf32, #tpu.memory_space<vmem>>) target(%dma_start3A_302 : memref<100000x16xf32, #tpu.memory_space<vmem_shared>>) offsets(%dma_start3A_299 : memref<128xi32, #tpu.memory_space<vmem>>) semaphore(%arg16 : memref<!tpu.dma_semaphore, #tpu.memory_space<semaphore_mem>>) {add = true}
      %dma_start3A_303 = arith.constant 4 : i32
      %dma_start3A_304 = arith.constant 512 : i32
      %dma_start3A_305 = arith.constant 0 : i32
      %dma_start3A_306 = tpu.memref_slice %arg9[%dma_start3A_304, %dma_start3A_305] : memref<640x16xf32, #tpu.memory_space<vmem>> -> memref<128x16xf32, #tpu.memory_space<vmem>>
      %dma_start3A_307 = arith.constant 0 : i32
      %dma_start3A_308 = tpu.memref_slice %arg7[%dma_start3A_303, %dma_start3A_307] : memref<5x128xi32, #tpu.memory_space<vmem>> -> memref<1x128xi32, #tpu.memory_space<vmem>>
      %dma_start3A_309 = tpu.memref_squeeze %dma_start3A_308 : memref<1x128xi32, #tpu.memory_space<vmem>> -> memref<128xi32, #tpu.memory_space<vmem>>
      %dma_start3A_310 = arith.constant 0 : i32
      %dma_start3A_311 = arith.constant 0 : i32
      %dma_start3A_312 = tpu.memref_slice %arg5[%dma_start3A_310, %dma_start3A_311] : memref<100000x16xf32, #tpu.memory_space<vmem_shared>> -> memref<100000x16xf32, #tpu.memory_space<vmem_shared>>
      tpu.enqueue_indirect_dma source(%dma_start3A_306 : memref<128x16xf32, #tpu.memory_space<vmem>>) target(%dma_start3A_312 : memref<100000x16xf32, #tpu.memory_space<vmem_shared>>) offsets(%dma_start3A_309 : memref<128xi32, #tpu.memory_space<vmem>>) semaphore(%arg16 : memref<!tpu.dma_semaphore, #tpu.memory_space<semaphore_mem>>) {add = true}
      %dma_wait3A_313 = arith.constant 0 : i32
      %dma_wait3A_314 = arith.constant 0 : i32
      %dma_wait3A_315 = arith.constant 0 : i32
      %dma_wait3A_316 = tpu.memref_slice %arg8[%dma_wait3A_314, %dma_wait3A_315] : memref<640x16xf32, #tpu.memory_space<vmem>> -> memref<128x16xf32, #tpu.memory_space<vmem>>
      %dma_wait3A_317 = arith.constant 0 : i32
      %dma_wait3A_318 = tpu.memref_slice %arg6[%dma_wait3A_313, %dma_wait3A_317] : memref<5x128xi32, #tpu.memory_space<vmem>> -> memref<1x128xi32, #tpu.memory_space<vmem>>
      %dma_wait3A_319 = tpu.memref_squeeze %dma_wait3A_318 : memref<1x128xi32, #tpu.memory_space<vmem>> -> memref<128xi32, #tpu.memory_space<vmem>>
      %dma_wait3A_320 = arith.constant 0 : i32
      %dma_wait3A_321 = arith.constant 0 : i32
      %dma_wait3A_322 = tpu.memref_slice %arg5[%dma_wait3A_320, %dma_wait3A_321] : memref<100000x16xf32, #tpu.memory_space<vmem_shared>> -> memref<100000x16xf32, #tpu.memory_space<vmem_shared>>
      tpu.wait_indirect_dma semaphore(%arg15 : memref<!tpu.dma_semaphore, #tpu.memory_space<semaphore_mem>>) src(%dma_wait3A_316 : memref<128x16xf32, #tpu.memory_space<vmem>>) dst(%dma_wait3A_322 : memref<100000x16xf32, #tpu.memory_space<vmem_shared>>)
      %dma_wait3A_323 = arith.constant 1 : i32
      %dma_wait3A_324 = arith.constant 128 : i32
      %dma_wait3A_325 = arith.constant 0 : i32
      %dma_wait3A_326 = tpu.memref_slice %arg8[%dma_wait3A_324, %dma_wait3A_325] : memref<640x16xf32, #tpu.memory_space<vmem>> -> memref<128x16xf32, #tpu.memory_space<vmem>>
      %dma_wait3A_327 = arith.constant 0 : i32
      %dma_wait3A_328 = tpu.memref_slice %arg6[%dma_wait3A_323, %dma_wait3A_327] : memref<5x128xi32, #tpu.memory_space<vmem>> -> memref<1x128xi32, #tpu.memory_space<vmem>>
      %dma_wait3A_329 = tpu.memref_squeeze %dma_wait3A_328 : memref<1x128xi32, #tpu.memory_space<vmem>> -> memref<128xi32, #tpu.memory_space<vmem>>
      %dma_wait3A_330 = arith.constant 0 : i32
      %dma_wait3A_331 = arith.constant 0 : i32
      %dma_wait3A_332 = tpu.memref_slice %arg5[%dma_wait3A_330, %dma_wait3A_331] : memref<100000x16xf32, #tpu.memory_space<vmem_shared>> -> memref<100000x16xf32, #tpu.memory_space<vmem_shared>>
      tpu.wait_indirect_dma semaphore(%arg15 : memref<!tpu.dma_semaphore, #tpu.memory_space<semaphore_mem>>) src(%dma_wait3A_326 : memref<128x16xf32, #tpu.memory_space<vmem>>) dst(%dma_wait3A_332 : memref<100000x16xf32, #tpu.memory_space<vmem_shared>>)
      %dma_wait3A_333 = arith.constant 2 : i32
      %dma_wait3A_334 = arith.constant 256 : i32
      %dma_wait3A_335 = arith.constant 0 : i32
      %dma_wait3A_336 = tpu.memref_slice %arg8[%dma_wait3A_334, %dma_wait3A_335] : memref<640x16xf32, #tpu.memory_space<vmem>> -> memref<128x16xf32, #tpu.memory_space<vmem>>
      %dma_wait3A_337 = arith.constant 0 : i32
      %dma_wait3A_338 = tpu.memref_slice %arg6[%dma_wait3A_333, %dma_wait3A_337] : memref<5x128xi32, #tpu.memory_space<vmem>> -> memref<1x128xi32, #tpu.memory_space<vmem>>
      %dma_wait3A_339 = tpu.memref_squeeze %dma_wait3A_338 : memref<1x128xi32, #tpu.memory_space<vmem>> -> memref<128xi32, #tpu.memory_space<vmem>>
      %dma_wait3A_340 = arith.constant 0 : i32
      %dma_wait3A_341 = arith.constant 0 : i32
      %dma_wait3A_342 = tpu.memref_slice %arg5[%dma_wait3A_340, %dma_wait3A_341] : memref<100000x16xf32, #tpu.memory_space<vmem_shared>> -> memref<100000x16xf32, #tpu.memory_space<vmem_shared>>
      tpu.wait_indirect_dma semaphore(%arg15 : memref<!tpu.dma_semaphore, #tpu.memory_space<semaphore_mem>>) src(%dma_wait3A_336 : memref<128x16xf32, #tpu.memory_space<vmem>>) dst(%dma_wait3A_342 : memref<100000x16xf32, #tpu.memory_space<vmem_shared>>)
      %dma_wait3A_343 = arith.constant 3 : i32
      %dma_wait3A_344 = arith.constant 384 : i32
      %dma_wait3A_345 = arith.constant 0 : i32
      %dma_wait3A_346 = tpu.memref_slice %arg8[%dma_wait3A_344, %dma_wait3A_345] : memref<640x16xf32, #tpu.memory_space<vmem>> -> memref<128x16xf32, #tpu.memory_space<vmem>>
      %dma_wait3A_347 = arith.constant 0 : i32
      %dma_wait3A_348 = tpu.memref_slice %arg6[%dma_wait3A_343, %dma_wait3A_347] : memref<5x128xi32, #tpu.memory_space<vmem>> -> memref<1x128xi32, #tpu.memory_space<vmem>>
      %dma_wait3A_349 = tpu.memref_squeeze %dma_wait3A_348 : memref<1x128xi32, #tpu.memory_space<vmem>> -> memref<128xi32, #tpu.memory_space<vmem>>
      %dma_wait3A_350 = arith.constant 0 : i32
      %dma_wait3A_351 = arith.constant 0 : i32
      %dma_wait3A_352 = tpu.memref_slice %arg5[%dma_wait3A_350, %dma_wait3A_351] : memref<100000x16xf32, #tpu.memory_space<vmem_shared>> -> memref<100000x16xf32, #tpu.memory_space<vmem_shared>>
      tpu.wait_indirect_dma semaphore(%arg15 : memref<!tpu.dma_semaphore, #tpu.memory_space<semaphore_mem>>) src(%dma_wait3A_346 : memref<128x16xf32, #tpu.memory_space<vmem>>) dst(%dma_wait3A_352 : memref<100000x16xf32, #tpu.memory_space<vmem_shared>>)
      %dma_wait3A_353 = arith.constant 4 : i32
      %dma_wait3A_354 = arith.constant 512 : i32
      %dma_wait3A_355 = arith.constant 0 : i32
      %dma_wait3A_356 = tpu.memref_slice %arg8[%dma_wait3A_354, %dma_wait3A_355] : memref<640x16xf32, #tpu.memory_space<vmem>> -> memref<128x16xf32, #tpu.memory_space<vmem>>
      %dma_wait3A_357 = arith.constant 0 : i32
      %dma_wait3A_358 = tpu.memref_slice %arg6[%dma_wait3A_353, %dma_wait3A_357] : memref<5x128xi32, #tpu.memory_space<vmem>> -> memref<1x128xi32, #tpu.memory_space<vmem>>
      %dma_wait3A_359 = tpu.memref_squeeze %dma_wait3A_358 : memref<1x128xi32, #tpu.memory_space<vmem>> -> memref<128xi32, #tpu.memory_space<vmem>>
      %dma_wait3A_360 = arith.constant 0 : i32
      %dma_wait3A_361 = arith.constant 0 : i32
      %dma_wait3A_362 = tpu.memref_slice %arg5[%dma_wait3A_360, %dma_wait3A_361] : memref<100000x16xf32, #tpu.memory_space<vmem_shared>> -> memref<100000x16xf32, #tpu.memory_space<vmem_shared>>
      tpu.wait_indirect_dma semaphore(%arg15 : memref<!tpu.dma_semaphore, #tpu.memory_space<semaphore_mem>>) src(%dma_wait3A_356 : memref<128x16xf32, #tpu.memory_space<vmem>>) dst(%dma_wait3A_362 : memref<100000x16xf32, #tpu.memory_space<vmem_shared>>)
      %add3A_363 = arith.constant 2 : i32
      %add3A_364 = arith.addi %add3A_187, %add3A_363 : i32
      %lt3A_365 = arith.cmpi slt, %add3A_364, %select_n3A_45 : i32
      %convert_element_type3A_366 = arith.extui %lt3A_365 : i1 to i32
      %cond3A_367 = arith.constant 0 : i32
      %cond3A_368 = arith.cmpi ne, %convert_element_type3A_366, %cond3A_367 : i32
      scf.if %cond3A_368 {
        %add3A_425 = arith.constant 2 : i32
        %add3A_426 = arith.addi %add3A_187, %add3A_425 : i32
        %mul3A_427 = arith.constant 5 : i32
        %mul3A_428 = arith.muli %add3A_426, %mul3A_427 : i32
        %add3A_429 = arith.constant 0 : i32
        %add3A_430 = arith.addi %add3A_429, %mul3A_428 : i32
        %dma_start3A_431 = arith.constant 0 : i32
        %dma_start3A_432 = tpu.memref_slice %arg2[%add3A_430, %dma_start3A_431] : memref<12500x128xi32, #tpu.memory_space<hbm>> -> memref<5x128xi32, #tpu.memory_space<hbm>>
        %dma_start3A_433 = arith.constant 0 : i32
        %dma_start3A_434 = tpu.memref_slice %arg2[%add3A_430, %dma_start3A_433] : memref<12500x128xi32, #tpu.memory_space<hbm>> -> memref<5x128xi32, #tpu.memory_space<hbm>>
        tpu.enqueue_dma source(%dma_start3A_434 : memref<5x128xi32, #tpu.memory_space<hbm>>) target(%arg6 : memref<5x128xi32, #tpu.memory_space<vmem>>) target_semaphore(%arg11 : memref<!tpu.dma_semaphore, #tpu.memory_space<semaphore_mem>>)
        %mul3A_435 = arith.constant 640 : i32
        %mul3A_436 = arith.muli %add3A_426, %mul3A_435 : i32
        %dma_start3A_437 = tpu.memref_slice %arg3[%mul3A_436, %mul3A_0] : memref<1600000x32xf32, #tpu.memory_space<hbm>> -> memref<640x16xf32, #tpu.memory_space<hbm>>
        %dma_start3A_438 = tpu.memref_slice %arg3[%mul3A_436, %mul3A_0] : memref<1600000x32xf32, #tpu.memory_space<hbm>> -> memref<640x16xf32, #tpu.memory_space<hbm>>
        tpu.enqueue_dma source(%dma_start3A_438 : memref<640x16xf32, #tpu.memory_space<hbm>>) target(%arg8 : memref<640x16xf32, #tpu.memory_space<vmem>>) target_semaphore(%arg13 : memref<!tpu.dma_semaphore, #tpu.memory_space<semaphore_mem>>)
      } else {
      }
      %dma_wait3A_369 = arith.constant 0 : i32
      %dma_wait3A_370 = arith.constant 0 : i32
      %dma_wait3A_371 = arith.constant 0 : i32
      %dma_wait3A_372 = tpu.memref_slice %arg9[%dma_wait3A_370, %dma_wait3A_371] : memref<640x16xf32, #tpu.memory_space<vmem>> -> memref<128x16xf32, #tpu.memory_space<vmem>>
      %dma_wait3A_373 = arith.constant 0 : i32
      %dma_wait3A_374 = tpu.memref_slice %arg7[%dma_wait3A_369, %dma_wait3A_373] : memref<5x128xi32, #tpu.memory_space<vmem>> -> memref<1x128xi32, #tpu.memory_space<vmem>>
      %dma_wait3A_375 = tpu.memref_squeeze %dma_wait3A_374 : memref<1x128xi32, #tpu.memory_space<vmem>> -> memref<128xi32, #tpu.memory_space<vmem>>
      %dma_wait3A_376 = arith.constant 0 : i32
      %dma_wait3A_377 = arith.constant 0 : i32
      %dma_wait3A_378 = tpu.memref_slice %arg5[%dma_wait3A_376, %dma_wait3A_377] : memref<100000x16xf32, #tpu.memory_space<vmem_shared>> -> memref<100000x16xf32, #tpu.memory_space<vmem_shared>>
      tpu.wait_indirect_dma semaphore(%arg16 : memref<!tpu.dma_semaphore, #tpu.memory_space<semaphore_mem>>) src(%dma_wait3A_372 : memref<128x16xf32, #tpu.memory_space<vmem>>) dst(%dma_wait3A_378 : memref<100000x16xf32, #tpu.memory_space<vmem_shared>>)
      %dma_wait3A_379 = arith.constant 1 : i32
      %dma_wait3A_380 = arith.constant 128 : i32
      %dma_wait3A_381 = arith.constant 0 : i32
      %dma_wait3A_382 = tpu.memref_slice %arg9[%dma_wait3A_380, %dma_wait3A_381] : memref<640x16xf32, #tpu.memory_space<vmem>> -> memref<128x16xf32, #tpu.memory_space<vmem>>
      %dma_wait3A_383 = arith.constant 0 : i32
      %dma_wait3A_384 = tpu.memref_slice %arg7[%dma_wait3A_379, %dma_wait3A_383] : memref<5x128xi32, #tpu.memory_space<vmem>> -> memref<1x128xi32, #tpu.memory_space<vmem>>
      %dma_wait3A_385 = tpu.memref_squeeze %dma_wait3A_384 : memref<1x128xi32, #tpu.memory_space<vmem>> -> memref<128xi32, #tpu.memory_space<vmem>>
      %dma_wait3A_386 = arith.constant 0 : i32
      %dma_wait3A_387 = arith.constant 0 : i32
      %dma_wait3A_388 = tpu.memref_slice %arg5[%dma_wait3A_386, %dma_wait3A_387] : memref<100000x16xf32, #tpu.memory_space<vmem_shared>> -> memref<100000x16xf32, #tpu.memory_space<vmem_shared>>
      tpu.wait_indirect_dma semaphore(%arg16 : memref<!tpu.dma_semaphore, #tpu.memory_space<semaphore_mem>>) src(%dma_wait3A_382 : memref<128x16xf32, #tpu.memory_space<vmem>>) dst(%dma_wait3A_388 : memref<100000x16xf32, #tpu.memory_space<vmem_shared>>)
      %dma_wait3A_389 = arith.constant 2 : i32
      %dma_wait3A_390 = arith.constant 256 : i32
      %dma_wait3A_391 = arith.constant 0 : i32
      %dma_wait3A_392 = tpu.memref_slice %arg9[%dma_wait3A_390, %dma_wait3A_391] : memref<640x16xf32, #tpu.memory_space<vmem>> -> memref<128x16xf32, #tpu.memory_space<vmem>>
      %dma_wait3A_393 = arith.constant 0 : i32
      %dma_wait3A_394 = tpu.memref_slice %arg7[%dma_wait3A_389, %dma_wait3A_393] : memref<5x128xi32, #tpu.memory_space<vmem>> -> memref<1x128xi32, #tpu.memory_space<vmem>>
      %dma_wait3A_395 = tpu.memref_squeeze %dma_wait3A_394 : memref<1x128xi32, #tpu.memory_space<vmem>> -> memref<128xi32, #tpu.memory_space<vmem>>
      %dma_wait3A_396 = arith.constant 0 : i32
      %dma_wait3A_397 = arith.constant 0 : i32
      %dma_wait3A_398 = tpu.memref_slice %arg5[%dma_wait3A_396, %dma_wait3A_397] : memref<100000x16xf32, #tpu.memory_space<vmem_shared>> -> memref<100000x16xf32, #tpu.memory_space<vmem_shared>>
      tpu.wait_indirect_dma semaphore(%arg16 : memref<!tpu.dma_semaphore, #tpu.memory_space<semaphore_mem>>) src(%dma_wait3A_392 : memref<128x16xf32, #tpu.memory_space<vmem>>) dst(%dma_wait3A_398 : memref<100000x16xf32, #tpu.memory_space<vmem_shared>>)
      %dma_wait3A_399 = arith.constant 3 : i32
      %dma_wait3A_400 = arith.constant 384 : i32
      %dma_wait3A_401 = arith.constant 0 : i32
      %dma_wait3A_402 = tpu.memref_slice %arg9[%dma_wait3A_400, %dma_wait3A_401] : memref<640x16xf32, #tpu.memory_space<vmem>> -> memref<128x16xf32, #tpu.memory_space<vmem>>
      %dma_wait3A_403 = arith.constant 0 : i32
      %dma_wait3A_404 = tpu.memref_slice %arg7[%dma_wait3A_399, %dma_wait3A_403] : memref<5x128xi32, #tpu.memory_space<vmem>> -> memref<1x128xi32, #tpu.memory_space<vmem>>
      %dma_wait3A_405 = tpu.memref_squeeze %dma_wait3A_404 : memref<1x128xi32, #tpu.memory_space<vmem>> -> memref<128xi32, #tpu.memory_space<vmem>>
      %dma_wait3A_406 = arith.constant 0 : i32
      %dma_wait3A_407 = arith.constant 0 : i32
      %dma_wait3A_408 = tpu.memref_slice %arg5[%dma_wait3A_406, %dma_wait3A_407] : memref<100000x16xf32, #tpu.memory_space<vmem_shared>> -> memref<100000x16xf32, #tpu.memory_space<vmem_shared>>
      tpu.wait_indirect_dma semaphore(%arg16 : memref<!tpu.dma_semaphore, #tpu.memory_space<semaphore_mem>>) src(%dma_wait3A_402 : memref<128x16xf32, #tpu.memory_space<vmem>>) dst(%dma_wait3A_408 : memref<100000x16xf32, #tpu.memory_space<vmem_shared>>)
      %dma_wait3A_409 = arith.constant 4 : i32
      %dma_wait3A_410 = arith.constant 512 : i32
      %dma_wait3A_411 = arith.constant 0 : i32
      %dma_wait3A_412 = tpu.memref_slice %arg9[%dma_wait3A_410, %dma_wait3A_411] : memref<640x16xf32, #tpu.memory_space<vmem>> -> memref<128x16xf32, #tpu.memory_space<vmem>>
      %dma_wait3A_413 = arith.constant 0 : i32
      %dma_wait3A_414 = tpu.memref_slice %arg7[%dma_wait3A_409, %dma_wait3A_413] : memref<5x128xi32, #tpu.memory_space<vmem>> -> memref<1x128xi32, #tpu.memory_space<vmem>>
      %dma_wait3A_415 = tpu.memref_squeeze %dma_wait3A_414 : memref<1x128xi32, #tpu.memory_space<vmem>> -> memref<128xi32, #tpu.memory_space<vmem>>
      %dma_wait3A_416 = arith.constant 0 : i32
      %dma_wait3A_417 = arith.constant 0 : i32
      %dma_wait3A_418 = tpu.memref_slice %arg5[%dma_wait3A_416, %dma_wait3A_417] : memref<100000x16xf32, #tpu.memory_space<vmem_shared>> -> memref<100000x16xf32, #tpu.memory_space<vmem_shared>>
      tpu.wait_indirect_dma semaphore(%arg16 : memref<!tpu.dma_semaphore, #tpu.memory_space<semaphore_mem>>) src(%dma_wait3A_412 : memref<128x16xf32, #tpu.memory_space<vmem>>) dst(%dma_wait3A_418 : memref<100000x16xf32, #tpu.memory_space<vmem_shared>>)
      %add3A_419 = arith.constant 3 : i32
      %add3A_420 = arith.addi %add3A_187, %add3A_419 : i32
      %lt3A_421 = arith.cmpi slt, %add3A_420, %select_n3A_45 : i32
      %convert_element_type3A_422 = arith.extui %lt3A_421 : i1 to i32
      %cond3A_423 = arith.constant 0 : i32
      %cond3A_424 = arith.cmpi ne, %convert_element_type3A_422, %cond3A_423 : i32
      scf.if %cond3A_424 {
        %add3A_425 = arith.constant 3 : i32
        %add3A_426 = arith.addi %add3A_187, %add3A_425 : i32
        %mul3A_427 = arith.constant 5 : i32
        %mul3A_428 = arith.muli %add3A_426, %mul3A_427 : i32
        %add3A_429 = arith.constant 0 : i32
        %add3A_430 = arith.addi %add3A_429, %mul3A_428 : i32
        %dma_start3A_431 = arith.constant 0 : i32
        %dma_start3A_432 = tpu.memref_slice %arg2[%add3A_430, %dma_start3A_431] : memref<12500x128xi32, #tpu.memory_space<hbm>> -> memref<5x128xi32, #tpu.memory_space<hbm>>
        %dma_start3A_433 = arith.constant 0 : i32
        %dma_start3A_434 = tpu.memref_slice %arg2[%add3A_430, %dma_start3A_433] : memref<12500x128xi32, #tpu.memory_space<hbm>> -> memref<5x128xi32, #tpu.memory_space<hbm>>
        tpu.enqueue_dma source(%dma_start3A_434 : memref<5x128xi32, #tpu.memory_space<hbm>>) target(%arg7 : memref<5x128xi32, #tpu.memory_space<vmem>>) target_semaphore(%arg12 : memref<!tpu.dma_semaphore, #tpu.memory_space<semaphore_mem>>)
        %mul3A_435 = arith.constant 640 : i32
        %mul3A_436 = arith.muli %add3A_426, %mul3A_435 : i32
        %dma_start3A_437 = tpu.memref_slice %arg3[%mul3A_436, %mul3A_0] : memref<1600000x32xf32, #tpu.memory_space<hbm>> -> memref<640x16xf32, #tpu.memory_space<hbm>>
        %dma_start3A_438 = tpu.memref_slice %arg3[%mul3A_436, %mul3A_0] : memref<1600000x32xf32, #tpu.memory_space<hbm>> -> memref<640x16xf32, #tpu.memory_space<hbm>>
        tpu.enqueue_dma source(%dma_start3A_438 : memref<640x16xf32, #tpu.memory_space<hbm>>) target(%arg9 : memref<640x16xf32, #tpu.memory_space<vmem>>) target_semaphore(%arg14 : memref<!tpu.dma_semaphore, #tpu.memory_space<semaphore_mem>>)
      } else {
      }
    }
    %jit3A_164 = arith.constant 2 : i32
    %eq3A = arith.constant 0 : i32
    %eq3A_165 = arith.cmpi eq, %jit3A_164, %eq3A : i32
    %jit3A_166 = arith.constant 1 : i32
    %select_n3A_167 = arith.select %eq3A_165, %jit3A_166, %jit3A_164 : i32
    %rem3A_168 = arith.remsi %sub3A_46, %select_n3A_167 : i32
    %ne3A_169 = arith.constant 0 : i32
    %ne3A_170 = arith.cmpi ne, %rem3A_168, %ne3A_169 : i32
    %lt3A = arith.constant 0 : i32
    %lt3A_171 = arith.cmpi slt, %rem3A_168, %lt3A : i32
    %lt3A_172 = arith.constant 0 : i32
    %lt3A_173 = arith.cmpi slt, %select_n3A_167, %lt3A_172 : i32
    %ne3A_174 = arith.xori %lt3A_171, %lt3A_173 : i1
    %and3A_175 = arith.andi %ne3A_174, %ne3A_170 : i1
    %add3A_176 = arith.addi %rem3A_168, %select_n3A_167 : i32
    %select_n3A_177 = arith.select %and3A_175, %add3A_176, %rem3A_168 : i32
    %eq3A_178 = arith.constant 1 : i32
    %eq3A_179 = arith.cmpi eq, %select_n3A_177, %eq3A_178 : i32
    %convert_element_type3A_180 = arith.extui %eq3A_179 : i1 to i32
    %cond3A_181 = arith.constant 0 : i32
    %cond3A_182 = arith.cmpi ne, %convert_element_type3A_180, %cond3A_181 : i32
    scf.if %cond3A_182 {
      %jit3A_184 = arith.constant 2 : i32
      %div3A_185 = arith.divsi %sub3A_46, %jit3A_184 : i32
      %sign3A_186 = arith.constant 0 : i32
      %sign3A_187 = arith.cmpi sgt, %sub3A_46, %sign3A_186 : i32
      %sign3A_188 = arith.extui %sign3A_187 : i1 to i32
      %sign3A_189 = arith.constant 0 : i32
      %sign3A_190 = arith.cmpi slt, %sub3A_46, %sign3A_189 : i32
      %sign3A_191 = arith.extui %sign3A_190 : i1 to i32
      %sign3A_192 = arith.subi %sign3A_188, %sign3A_191 : i32
      %sign3A_193 = arith.constant 0 : i32
      %sign3A_194 = arith.cmpi sgt, %jit3A_184, %sign3A_193 : i32
      %sign3A_195 = arith.extui %sign3A_194 : i1 to i32
      %sign3A_196 = arith.constant 0 : i32
      %sign3A_197 = arith.cmpi slt, %jit3A_184, %sign3A_196 : i32
      %sign3A_198 = arith.extui %sign3A_197 : i1 to i32
      %sign3A_199 = arith.subi %sign3A_195, %sign3A_198 : i32
      %ne3A_200 = arith.cmpi ne, %sign3A_192, %sign3A_199 : i32
      %rem3A_201 = arith.remsi %sub3A_46, %jit3A_184 : i32
      %ne3A_202 = arith.constant 0 : i32
      %ne3A_203 = arith.cmpi ne, %rem3A_201, %ne3A_202 : i32
      %and3A_204 = arith.andi %ne3A_200, %ne3A_203 : i1
      %sub3A_205 = arith.constant 1 : i32
      %sub3A_206 = arith.subi %div3A_185, %sub3A_205 : i32
      %select_n3A_207 = arith.select %and3A_204, %sub3A_206, %div3A_185 : i32
      %mul3A_208 = arith.constant 2 : i32
      %mul3A_209 = arith.muli %select_n3A_207, %mul3A_208 : i32
      %add3A_210 = arith.addi %select_n3A, %mul3A_209 : i32
      %mul3A_211 = arith.constant 5 : i32
      %mul3A_212 = arith.muli %add3A_210, %mul3A_211 : i32
      %add3A_213 = arith.constant 0 : i32
      %add3A_214 = arith.addi %add3A_213, %mul3A_212 : i32
      %dma_wait3A = arith.constant 0 : i32
      %dma_wait3A_215 = tpu.memref_slice %arg2[%add3A_214, %dma_wait3A] : memref<12500x128xi32, #tpu.memory_space<hbm>> -> memref<5x128xi32, #tpu.memory_space<hbm>>
      %dma_wait3A_216 = arith.constant 0 : i32
      %dma_wait3A_217 = tpu.memref_slice %arg2[%add3A_214, %dma_wait3A_216] : memref<12500x128xi32, #tpu.memory_space<hbm>> -> memref<5x128xi32, #tpu.memory_space<hbm>>
      tpu.wait_dma2 semaphore(%arg11 : memref<!tpu.dma_semaphore, #tpu.memory_space<semaphore_mem>>) src(%dma_wait3A_217 : memref<5x128xi32, #tpu.memory_space<hbm>>) dst(%arg6 : memref<5x128xi32, #tpu.memory_space<vmem>>)
      %mul3A_218 = arith.constant 640 : i32
      %mul3A_219 = arith.muli %add3A_210, %mul3A_218 : i32
      %dma_wait3A_220 = tpu.memref_slice %arg3[%mul3A_219, %mul3A_0] : memref<1600000x32xf32, #tpu.memory_space<hbm>> -> memref<640x16xf32, #tpu.memory_space<hbm>>
      %dma_wait3A_221 = tpu.memref_slice %arg3[%mul3A_219, %mul3A_0] : memref<1600000x32xf32, #tpu.memory_space<hbm>> -> memref<640x16xf32, #tpu.memory_space<hbm>>
      tpu.wait_dma2 semaphore(%arg13 : memref<!tpu.dma_semaphore, #tpu.memory_space<semaphore_mem>>) src(%dma_wait3A_221 : memref<640x16xf32, #tpu.memory_space<hbm>>) dst(%arg8 : memref<640x16xf32, #tpu.memory_space<vmem>>)
      %dma_start3A_222 = arith.constant 0 : i32
      %dma_start3A_223 = arith.constant 0 : i32
      %dma_start3A_224 = arith.constant 0 : i32
      %dma_start3A_225 = tpu.memref_slice %arg8[%dma_start3A_223, %dma_start3A_224] : memref<640x16xf32, #tpu.memory_space<vmem>> -> memref<128x16xf32, #tpu.memory_space<vmem>>
      %dma_start3A_226 = arith.constant 0 : i32
      %dma_start3A_227 = tpu.memref_slice %arg6[%dma_start3A_222, %dma_start3A_226] : memref<5x128xi32, #tpu.memory_space<vmem>> -> memref<1x128xi32, #tpu.memory_space<vmem>>
      %dma_start3A_228 = tpu.memref_squeeze %dma_start3A_227 : memref<1x128xi32, #tpu.memory_space<vmem>> -> memref<128xi32, #tpu.memory_space<vmem>>
      %dma_start3A_229 = arith.constant 0 : i32
      %dma_start3A_230 = arith.constant 0 : i32
      %dma_start3A_231 = tpu.memref_slice %arg5[%dma_start3A_229, %dma_start3A_230] : memref<100000x16xf32, #tpu.memory_space<vmem_shared>> -> memref<100000x16xf32, #tpu.memory_space<vmem_shared>>
      tpu.enqueue_indirect_dma source(%dma_start3A_225 : memref<128x16xf32, #tpu.memory_space<vmem>>) target(%dma_start3A_231 : memref<100000x16xf32, #tpu.memory_space<vmem_shared>>) offsets(%dma_start3A_228 : memref<128xi32, #tpu.memory_space<vmem>>) semaphore(%arg15 : memref<!tpu.dma_semaphore, #tpu.memory_space<semaphore_mem>>) {add = true}
      %dma_start3A_232 = arith.constant 1 : i32
      %dma_start3A_233 = arith.constant 128 : i32
      %dma_start3A_234 = arith.constant 0 : i32
      %dma_start3A_235 = tpu.memref_slice %arg8[%dma_start3A_233, %dma_start3A_234] : memref<640x16xf32, #tpu.memory_space<vmem>> -> memref<128x16xf32, #tpu.memory_space<vmem>>
      %dma_start3A_236 = arith.constant 0 : i32
      %dma_start3A_237 = tpu.memref_slice %arg6[%dma_start3A_232, %dma_start3A_236] : memref<5x128xi32, #tpu.memory_space<vmem>> -> memref<1x128xi32, #tpu.memory_space<vmem>>
      %dma_start3A_238 = tpu.memref_squeeze %dma_start3A_237 : memref<1x128xi32, #tpu.memory_space<vmem>> -> memref<128xi32, #tpu.memory_space<vmem>>
      %dma_start3A_239 = arith.constant 0 : i32
      %dma_start3A_240 = arith.constant 0 : i32
      %dma_start3A_241 = tpu.memref_slice %arg5[%dma_start3A_239, %dma_start3A_240] : memref<100000x16xf32, #tpu.memory_space<vmem_shared>> -> memref<100000x16xf32, #tpu.memory_space<vmem_shared>>
      tpu.enqueue_indirect_dma source(%dma_start3A_235 : memref<128x16xf32, #tpu.memory_space<vmem>>) target(%dma_start3A_241 : memref<100000x16xf32, #tpu.memory_space<vmem_shared>>) offsets(%dma_start3A_238 : memref<128xi32, #tpu.memory_space<vmem>>) semaphore(%arg15 : memref<!tpu.dma_semaphore, #tpu.memory_space<semaphore_mem>>) {add = true}
      %dma_start3A_242 = arith.constant 2 : i32
      %dma_start3A_243 = arith.constant 256 : i32
      %dma_start3A_244 = arith.constant 0 : i32
      %dma_start3A_245 = tpu.memref_slice %arg8[%dma_start3A_243, %dma_start3A_244] : memref<640x16xf32, #tpu.memory_space<vmem>> -> memref<128x16xf32, #tpu.memory_space<vmem>>
      %dma_start3A_246 = arith.constant 0 : i32
      %dma_start3A_247 = tpu.memref_slice %arg6[%dma_start3A_242, %dma_start3A_246] : memref<5x128xi32, #tpu.memory_space<vmem>> -> memref<1x128xi32, #tpu.memory_space<vmem>>
      %dma_start3A_248 = tpu.memref_squeeze %dma_start3A_247 : memref<1x128xi32, #tpu.memory_space<vmem>> -> memref<128xi32, #tpu.memory_space<vmem>>
      %dma_start3A_249 = arith.constant 0 : i32
      %dma_start3A_250 = arith.constant 0 : i32
      %dma_start3A_251 = tpu.memref_slice %arg5[%dma_start3A_249, %dma_start3A_250] : memref<100000x16xf32, #tpu.memory_space<vmem_shared>> -> memref<100000x16xf32, #tpu.memory_space<vmem_shared>>
      tpu.enqueue_indirect_dma source(%dma_start3A_245 : memref<128x16xf32, #tpu.memory_space<vmem>>) target(%dma_start3A_251 : memref<100000x16xf32, #tpu.memory_space<vmem_shared>>) offsets(%dma_start3A_248 : memref<128xi32, #tpu.memory_space<vmem>>) semaphore(%arg15 : memref<!tpu.dma_semaphore, #tpu.memory_space<semaphore_mem>>) {add = true}
      %dma_start3A_252 = arith.constant 3 : i32
      %dma_start3A_253 = arith.constant 384 : i32
      %dma_start3A_254 = arith.constant 0 : i32
      %dma_start3A_255 = tpu.memref_slice %arg8[%dma_start3A_253, %dma_start3A_254] : memref<640x16xf32, #tpu.memory_space<vmem>> -> memref<128x16xf32, #tpu.memory_space<vmem>>
      %dma_start3A_256 = arith.constant 0 : i32
      %dma_start3A_257 = tpu.memref_slice %arg6[%dma_start3A_252, %dma_start3A_256] : memref<5x128xi32, #tpu.memory_space<vmem>> -> memref<1x128xi32, #tpu.memory_space<vmem>>
      %dma_start3A_258 = tpu.memref_squeeze %dma_start3A_257 : memref<1x128xi32, #tpu.memory_space<vmem>> -> memref<128xi32, #tpu.memory_space<vmem>>
      %dma_start3A_259 = arith.constant 0 : i32
      %dma_start3A_260 = arith.constant 0 : i32
      %dma_start3A_261 = tpu.memref_slice %arg5[%dma_start3A_259, %dma_start3A_260] : memref<100000x16xf32, #tpu.memory_space<vmem_shared>> -> memref<100000x16xf32, #tpu.memory_space<vmem_shared>>
      tpu.enqueue_indirect_dma source(%dma_start3A_255 : memref<128x16xf32, #tpu.memory_space<vmem>>) target(%dma_start3A_261 : memref<100000x16xf32, #tpu.memory_space<vmem_shared>>) offsets(%dma_start3A_258 : memref<128xi32, #tpu.memory_space<vmem>>) semaphore(%arg15 : memref<!tpu.dma_semaphore, #tpu.memory_space<semaphore_mem>>) {add = true}
      %dma_start3A_262 = arith.constant 4 : i32
      %dma_start3A_263 = arith.constant 512 : i32
      %dma_start3A_264 = arith.constant 0 : i32
      %dma_start3A_265 = tpu.memref_slice %arg8[%dma_start3A_263, %dma_start3A_264] : memref<640x16xf32, #tpu.memory_space<vmem>> -> memref<128x16xf32, #tpu.memory_space<vmem>>
      %dma_start3A_266 = arith.constant 0 : i32
      %dma_start3A_267 = tpu.memref_slice %arg6[%dma_start3A_262, %dma_start3A_266] : memref<5x128xi32, #tpu.memory_space<vmem>> -> memref<1x128xi32, #tpu.memory_space<vmem>>
      %dma_start3A_268 = tpu.memref_squeeze %dma_start3A_267 : memref<1x128xi32, #tpu.memory_space<vmem>> -> memref<128xi32, #tpu.memory_space<vmem>>
      %dma_start3A_269 = arith.constant 0 : i32
      %dma_start3A_270 = arith.constant 0 : i32
      %dma_start3A_271 = tpu.memref_slice %arg5[%dma_start3A_269, %dma_start3A_270] : memref<100000x16xf32, #tpu.memory_space<vmem_shared>> -> memref<100000x16xf32, #tpu.memory_space<vmem_shared>>
      tpu.enqueue_indirect_dma source(%dma_start3A_265 : memref<128x16xf32, #tpu.memory_space<vmem>>) target(%dma_start3A_271 : memref<100000x16xf32, #tpu.memory_space<vmem_shared>>) offsets(%dma_start3A_268 : memref<128xi32, #tpu.memory_space<vmem>>) semaphore(%arg15 : memref<!tpu.dma_semaphore, #tpu.memory_space<semaphore_mem>>) {add = true}
      %dma_wait3A_272 = arith.constant 0 : i32
      %dma_wait3A_273 = arith.constant 0 : i32
      %dma_wait3A_274 = arith.constant 0 : i32
      %dma_wait3A_275 = tpu.memref_slice %arg8[%dma_wait3A_273, %dma_wait3A_274] : memref<640x16xf32, #tpu.memory_space<vmem>> -> memref<128x16xf32, #tpu.memory_space<vmem>>
      %dma_wait3A_276 = arith.constant 0 : i32
      %dma_wait3A_277 = tpu.memref_slice %arg6[%dma_wait3A_272, %dma_wait3A_276] : memref<5x128xi32, #tpu.memory_space<vmem>> -> memref<1x128xi32, #tpu.memory_space<vmem>>
      %dma_wait3A_278 = tpu.memref_squeeze %dma_wait3A_277 : memref<1x128xi32, #tpu.memory_space<vmem>> -> memref<128xi32, #tpu.memory_space<vmem>>
      %dma_wait3A_279 = arith.constant 0 : i32
      %dma_wait3A_280 = arith.constant 0 : i32
      %dma_wait3A_281 = tpu.memref_slice %arg5[%dma_wait3A_279, %dma_wait3A_280] : memref<100000x16xf32, #tpu.memory_space<vmem_shared>> -> memref<100000x16xf32, #tpu.memory_space<vmem_shared>>
      tpu.wait_indirect_dma semaphore(%arg15 : memref<!tpu.dma_semaphore, #tpu.memory_space<semaphore_mem>>) src(%dma_wait3A_275 : memref<128x16xf32, #tpu.memory_space<vmem>>) dst(%dma_wait3A_281 : memref<100000x16xf32, #tpu.memory_space<vmem_shared>>)
      %dma_wait3A_282 = arith.constant 1 : i32
      %dma_wait3A_283 = arith.constant 128 : i32
      %dma_wait3A_284 = arith.constant 0 : i32
      %dma_wait3A_285 = tpu.memref_slice %arg8[%dma_wait3A_283, %dma_wait3A_284] : memref<640x16xf32, #tpu.memory_space<vmem>> -> memref<128x16xf32, #tpu.memory_space<vmem>>
      %dma_wait3A_286 = arith.constant 0 : i32
      %dma_wait3A_287 = tpu.memref_slice %arg6[%dma_wait3A_282, %dma_wait3A_286] : memref<5x128xi32, #tpu.memory_space<vmem>> -> memref<1x128xi32, #tpu.memory_space<vmem>>
      %dma_wait3A_288 = tpu.memref_squeeze %dma_wait3A_287 : memref<1x128xi32, #tpu.memory_space<vmem>> -> memref<128xi32, #tpu.memory_space<vmem>>
      %dma_wait3A_289 = arith.constant 0 : i32
      %dma_wait3A_290 = arith.constant 0 : i32
      %dma_wait3A_291 = tpu.memref_slice %arg5[%dma_wait3A_289, %dma_wait3A_290] : memref<100000x16xf32, #tpu.memory_space<vmem_shared>> -> memref<100000x16xf32, #tpu.memory_space<vmem_shared>>
      tpu.wait_indirect_dma semaphore(%arg15 : memref<!tpu.dma_semaphore, #tpu.memory_space<semaphore_mem>>) src(%dma_wait3A_285 : memref<128x16xf32, #tpu.memory_space<vmem>>) dst(%dma_wait3A_291 : memref<100000x16xf32, #tpu.memory_space<vmem_shared>>)
      %dma_wait3A_292 = arith.constant 2 : i32
      %dma_wait3A_293 = arith.constant 256 : i32
      %dma_wait3A_294 = arith.constant 0 : i32
      %dma_wait3A_295 = tpu.memref_slice %arg8[%dma_wait3A_293, %dma_wait3A_294] : memref<640x16xf32, #tpu.memory_space<vmem>> -> memref<128x16xf32, #tpu.memory_space<vmem>>
      %dma_wait3A_296 = arith.constant 0 : i32
      %dma_wait3A_297 = tpu.memref_slice %arg6[%dma_wait3A_292, %dma_wait3A_296] : memref<5x128xi32, #tpu.memory_space<vmem>> -> memref<1x128xi32, #tpu.memory_space<vmem>>
      %dma_wait3A_298 = tpu.memref_squeeze %dma_wait3A_297 : memref<1x128xi32, #tpu.memory_space<vmem>> -> memref<128xi32, #tpu.memory_space<vmem>>
      %dma_wait3A_299 = arith.constant 0 : i32
      %dma_wait3A_300 = arith.constant 0 : i32
      %dma_wait3A_301 = tpu.memref_slice %arg5[%dma_wait3A_299, %dma_wait3A_300] : memref<100000x16xf32, #tpu.memory_space<vmem_shared>> -> memref<100000x16xf32, #tpu.memory_space<vmem_shared>>
      tpu.wait_indirect_dma semaphore(%arg15 : memref<!tpu.dma_semaphore, #tpu.memory_space<semaphore_mem>>) src(%dma_wait3A_295 : memref<128x16xf32, #tpu.memory_space<vmem>>) dst(%dma_wait3A_301 : memref<100000x16xf32, #tpu.memory_space<vmem_shared>>)
      %dma_wait3A_302 = arith.constant 3 : i32
      %dma_wait3A_303 = arith.constant 384 : i32
      %dma_wait3A_304 = arith.constant 0 : i32
      %dma_wait3A_305 = tpu.memref_slice %arg8[%dma_wait3A_303, %dma_wait3A_304] : memref<640x16xf32, #tpu.memory_space<vmem>> -> memref<128x16xf32, #tpu.memory_space<vmem>>
      %dma_wait3A_306 = arith.constant 0 : i32
      %dma_wait3A_307 = tpu.memref_slice %arg6[%dma_wait3A_302, %dma_wait3A_306] : memref<5x128xi32, #tpu.memory_space<vmem>> -> memref<1x128xi32, #tpu.memory_space<vmem>>
      %dma_wait3A_308 = tpu.memref_squeeze %dma_wait3A_307 : memref<1x128xi32, #tpu.memory_space<vmem>> -> memref<128xi32, #tpu.memory_space<vmem>>
      %dma_wait3A_309 = arith.constant 0 : i32
      %dma_wait3A_310 = arith.constant 0 : i32
      %dma_wait3A_311 = tpu.memref_slice %arg5[%dma_wait3A_309, %dma_wait3A_310] : memref<100000x16xf32, #tpu.memory_space<vmem_shared>> -> memref<100000x16xf32, #tpu.memory_space<vmem_shared>>
      tpu.wait_indirect_dma semaphore(%arg15 : memref<!tpu.dma_semaphore, #tpu.memory_space<semaphore_mem>>) src(%dma_wait3A_305 : memref<128x16xf32, #tpu.memory_space<vmem>>) dst(%dma_wait3A_311 : memref<100000x16xf32, #tpu.memory_space<vmem_shared>>)
      %dma_wait3A_312 = arith.constant 4 : i32
      %dma_wait3A_313 = arith.constant 512 : i32
      %dma_wait3A_314 = arith.constant 0 : i32
      %dma_wait3A_315 = tpu.memref_slice %arg8[%dma_wait3A_313, %dma_wait3A_314] : memref<640x16xf32, #tpu.memory_space<vmem>> -> memref<128x16xf32, #tpu.memory_space<vmem>>
      %dma_wait3A_316 = arith.constant 0 : i32
      %dma_wait3A_317 = tpu.memref_slice %arg6[%dma_wait3A_312, %dma_wait3A_316] : memref<5x128xi32, #tpu.memory_space<vmem>> -> memref<1x128xi32, #tpu.memory_space<vmem>>
      %dma_wait3A_318 = tpu.memref_squeeze %dma_wait3A_317 : memref<1x128xi32, #tpu.memory_space<vmem>> -> memref<128xi32, #tpu.memory_space<vmem>>
      %dma_wait3A_319 = arith.constant 0 : i32
      %dma_wait3A_320 = arith.constant 0 : i32
      %dma_wait3A_321 = tpu.memref_slice %arg5[%dma_wait3A_319, %dma_wait3A_320] : memref<100000x16xf32, #tpu.memory_space<vmem_shared>> -> memref<100000x16xf32, #tpu.memory_space<vmem_shared>>
      tpu.wait_indirect_dma semaphore(%arg15 : memref<!tpu.dma_semaphore, #tpu.memory_space<semaphore_mem>>) src(%dma_wait3A_315 : memref<128x16xf32, #tpu.memory_space<vmem>>) dst(%dma_wait3A_321 : memref<100000x16xf32, #tpu.memory_space<vmem_shared>>)
    } else {
    }
    %barrier3A_183 = arith.constant 0 : index
    tpu.barrier barrier_id(%barrier3A_183)
    "tpu.region"() ({
      %run_scoped3A = tpu.sem_alloc : memref<!tpu.dma_semaphore, #tpu.memory_space<semaphore_mem>>
      %dma_start3A_184 = arith.constant 0 : i32
      %dma_start3A_185 = tpu.memref_slice %arg4[%arg0, %mul3A_61, %dma_start3A_184] : memref<2x100000x16xf32, #tpu.memory_space<hbm>> -> memref<1x6250x16xf32, #tpu.memory_space<hbm>>
      %dma_start3A_186 = tpu.memref_squeeze %dma_start3A_185 : memref<1x6250x16xf32, #tpu.memory_space<hbm>> -> memref<6250x16xf32, #tpu.memory_space<hbm>>
      %dma_start3A_187 = arith.constant 0 : i32
      %dma_start3A_188 = tpu.memref_slice %arg5[%mul3A_61, %dma_start3A_187] : memref<100000x16xf32, #tpu.memory_space<vmem_shared>> -> memref<6250x16xf32, #tpu.memory_space<vmem_shared>>
      tpu.enqueue_dma source(%dma_start3A_188 : memref<6250x16xf32, #tpu.memory_space<vmem_shared>>) target(%dma_start3A_186 : memref<6250x16xf32, #tpu.memory_space<hbm>>) target_semaphore(%run_scoped3A : memref<!tpu.dma_semaphore, #tpu.memory_space<semaphore_mem>>)
      %dma_wait3A = arith.constant 0 : i32
      %dma_wait3A_189 = tpu.memref_slice %arg4[%arg0, %mul3A_61, %dma_wait3A] : memref<2x100000x16xf32, #tpu.memory_space<hbm>> -> memref<1x6250x16xf32, #tpu.memory_space<hbm>>
      %dma_wait3A_190 = tpu.memref_squeeze %dma_wait3A_189 : memref<1x6250x16xf32, #tpu.memory_space<hbm>> -> memref<6250x16xf32, #tpu.memory_space<hbm>>
      %dma_wait3A_191 = arith.constant 0 : i32
      %dma_wait3A_192 = tpu.memref_slice %arg5[%mul3A_61, %dma_wait3A_191] : memref<100000x16xf32, #tpu.memory_space<vmem_shared>> -> memref<6250x16xf32, #tpu.memory_space<vmem_shared>>
      tpu.wait_dma2 semaphore(%run_scoped3A : memref<!tpu.dma_semaphore, #tpu.memory_space<semaphore_mem>>) src(%dma_wait3A_192 : memref<6250x16xf32, #tpu.memory_space<vmem_shared>>) dst(%dma_wait3A_190 : memref<6250x16xf32, #tpu.memory_space<hbm>>)
      tpu.yield
    }) : () -> ()
    return
  }
}

module attributes {stable_mosaic.version = 14 : i64} {
  func.func @_mlp_body(%arg0: i32, %arg1: memref<1000x128xf32, #tpu.memory_space<vmem>>, %arg2: memref<2x1000x16xf32, #tpu.memory_space<vmem>>, %arg3: memref<160x32xf32, #tpu.memory_space<vmem>>, %arg4: memref<1x32xf32, #tpu.memory_space<vmem>>, %arg5: memref<32x32xf32, #tpu.memory_space<vmem>>, %arg6: memref<1x32xf32, #tpu.memory_space<vmem>>, %arg7: memref<1000x32xf32, #tpu.memory_space<vmem>>) attributes {dimension_semantics = [#tpu.dimension_semantics<arbitrary>], iteration_bounds = array<i64: 100>, scalar_prefetch = 0 : i64, scratch_operands = 0 : i64, tpu.core_type = #tpu.core_type<tc>, window_params = [{transform_indices = @transform_0, window_bounds = array<i64: 1000, 128>}, {transform_indices = @transform_1, window_bounds = array<i64: 2, 1000, 16>}, {pipeline_mode = #tpu.pipeline_mode<synchronous>, transform_indices = @transform_2, window_bounds = array<i64: 160, 32>}, {pipeline_mode = #tpu.pipeline_mode<synchronous>, transform_indices = @transform_3, window_bounds = array<i64: 1, 32>}, {pipeline_mode = #tpu.pipeline_mode<synchronous>, transform_indices = @transform_4, window_bounds = array<i64: 32, 32>}, {pipeline_mode = #tpu.pipeline_mode<synchronous>, transform_indices = @transform_5, window_bounds = array<i64: 1, 32>}, {transform_indices = @transform_6, window_bounds = array<i64: 1000, 32>}]} {
    %get3A = arith.constant 0 : index
    %get3A_0 = arith.constant 0 : index
    %get3A_1 = vector.load %arg1[%get3A, %get3A_0] : memref<1000x128xf32, #tpu.memory_space<vmem>>, vector<1000x128xf32>
    %get3A_2 = arith.constant 0 : index
    %get3A_3 = arith.constant 0 : index
    %get3A_4 = arith.constant 0 : index
    %get3A_5 = vector.load %arg2[%get3A_2, %get3A_3, %get3A_4] : memref<2x1000x16xf32, #tpu.memory_space<vmem>>, vector<1x1000x16xf32>
    %get3A_6 = vector.shape_cast %get3A_5 : vector<1x1000x16xf32> to vector<1000x16xf32>
    %get3A_7 = arith.constant 1 : index
    %get3A_8 = arith.constant 0 : index
    %get3A_9 = arith.constant 0 : index
    %get3A_10 = vector.load %arg2[%get3A_7, %get3A_8, %get3A_9] : memref<2x1000x16xf32, #tpu.memory_space<vmem>>, vector<1x1000x16xf32>
    %get3A_11 = vector.shape_cast %get3A_10 : vector<1x1000x16xf32> to vector<1000x16xf32>
    %concatenate3A = tpu.concatenate %get3A_6, %get3A_11 in 1 : vector<1000x16xf32>, vector<1000x16xf32> -> vector<1000x32xf32>
    %get3A_12 = arith.constant 0 : index
    %get3A_13 = arith.constant 0 : index
    %get3A_14 = vector.load %arg3[%get3A_12, %get3A_13] : memref<160x32xf32, #tpu.memory_space<vmem>>, vector<128x32xf32>
    %dot_general3A = arith.constant dense<0.000000e+00> : vector<1000x32xf32>
    %dot_general3A_15 = tpu.matmul %get3A_1, %get3A_14, %dot_general3A {dimension_numbers = #tpu.dot_dimension_numbers<[1], [0], [0], [1], [0, 0, 1, 1], [], []>, transpose_lhs_hint = false} : vector<1000x128xf32>, vector<128x32xf32>, vector<1000x32xf32> -> vector<1000x32xf32>
    %get3A_16 = arith.constant 128 : index
    %get3A_17 = arith.constant 0 : index
    %get3A_18 = vector.load %arg3[%get3A_16, %get3A_17] : memref<160x32xf32, #tpu.memory_space<vmem>>, vector<32x32xf32>
    %dot_general3A_19 = arith.constant dense<0.000000e+00> : vector<1000x32xf32>
    %dot_general3A_20 = tpu.matmul %concatenate3A, %get3A_18, %dot_general3A_19 {dimension_numbers = #tpu.dot_dimension_numbers<[1], [0], [0], [1], [0, 0, 1, 1], [], []>, transpose_lhs_hint = false} : vector<1000x32xf32>, vector<32x32xf32>, vector<1000x32xf32> -> vector<1000x32xf32>
    %add3A = arith.addf %dot_general3A_15, %dot_general3A_20 : vector<1000x32xf32>
    %get3A_21 = arith.constant 0 : index
    %get3A_22 = arith.constant 0 : index
    %get3A_23 = vector.load %arg4[%get3A_21, %get3A_22] : memref<1x32xf32, #tpu.memory_space<vmem>>, vector<1x32xf32>
    %add3A_24 = vector.broadcast %get3A_23 : vector<1x32xf32> to vector<1000x32xf32>
    %add3A_25 = arith.addf %add3A, %add3A_24 : vector<1000x32xf32>
    %max3A = arith.constant 0.000000e+00 : f32
    %max3A_26 = vector.broadcast %max3A : f32 to vector<1000x32xf32>
    %max3A_27 = arith.maximumf %add3A_25, %max3A_26 : vector<1000x32xf32>
    %get3A_28 = arith.constant 0 : index
    %get3A_29 = arith.constant 0 : index
    %get3A_30 = vector.load %arg5[%get3A_28, %get3A_29] : memref<32x32xf32, #tpu.memory_space<vmem>>, vector<32x32xf32>
    %dot_general3A_31 = arith.constant dense<0.000000e+00> : vector<1000x32xf32>
    %dot_general3A_32 = tpu.matmul %max3A_27, %get3A_30, %dot_general3A_31 {dimension_numbers = #tpu.dot_dimension_numbers<[1], [0], [0], [1], [0, 0, 1, 1], [], []>, transpose_lhs_hint = false} : vector<1000x32xf32>, vector<32x32xf32>, vector<1000x32xf32> -> vector<1000x32xf32>
    %get3A_33 = arith.constant 0 : index
    %get3A_34 = arith.constant 0 : index
    %get3A_35 = vector.load %arg6[%get3A_33, %get3A_34] : memref<1x32xf32, #tpu.memory_space<vmem>>, vector<1x32xf32>
    %add3A_36 = vector.broadcast %get3A_35 : vector<1x32xf32> to vector<1000x32xf32>
    %add3A_37 = arith.addf %dot_general3A_32, %add3A_36 : vector<1000x32xf32>
    %max3A_38 = arith.constant 0.000000e+00 : f32
    %max3A_39 = vector.broadcast %max3A_38 : f32 to vector<1000x32xf32>
    %max3A_40 = arith.maximumf %add3A_37, %max3A_39 : vector<1000x32xf32>
    %swap3A = arith.constant 0 : index
    %swap3A_41 = arith.constant 0 : index
    %swap3A_42 = vector.load %arg7[%swap3A, %swap3A_41] : memref<1000x32xf32, #tpu.memory_space<vmem>>, vector<1000x32xf32>
    tpu.vector_store %arg7[%swap3A, %swap3A_41], %max3A_40 {strides = array<i32>} : memref<1000x32xf32, #tpu.memory_space<vmem>>, vector<1000x32xf32>,
    return
  }
  func.func @transform_0(%arg0: i32) -> (i32, i32) {
    %c0_i32 = arith.constant 0 : i32
    %c0_i32_0 = arith.constant 0 : i32
    return %arg0, %c0_i32 : i32, i32
  }
  func.func @transform_1(%arg0: i32) -> (i32, i32, i32) {
    %c0_i32 = arith.constant 0 : i32
    %c0_i32_0 = arith.constant 0 : i32
    %c0_i32_1 = arith.constant 0 : i32
    return %c0_i32, %arg0, %c0_i32_0 : i32, i32, i32
  }
  func.func @transform_2(%arg0: i32) -> (i32, i32) {
    %c0_i32 = arith.constant 0 : i32
    %c0_i32_0 = arith.constant 0 : i32
    %c0_i32_1 = arith.constant 0 : i32
    return %c0_i32, %c0_i32_0 : i32, i32
  }
  func.func @transform_3(%arg0: i32) -> (i32, i32) {
    %c0_i32 = arith.constant 0 : i32
    %c0_i32_0 = arith.constant 0 : i32
    %c0_i32_1 = arith.constant 0 : i32
    return %c0_i32, %c0_i32_0 : i32, i32
  }
  func.func @transform_4(%arg0: i32) -> (i32, i32) {
    %c0_i32 = arith.constant 0 : i32
    %c0_i32_0 = arith.constant 0 : i32
    %c0_i32_1 = arith.constant 0 : i32
    return %c0_i32, %c0_i32_0 : i32, i32
  }
  func.func @transform_5(%arg0: i32) -> (i32, i32) {
    %c0_i32 = arith.constant 0 : i32
    %c0_i32_0 = arith.constant 0 : i32
    %c0_i32_1 = arith.constant 0 : i32
    return %c0_i32, %c0_i32_0 : i32, i32
  }
  func.func @transform_6(%arg0: i32) -> (i32, i32) {
    %c0_i32 = arith.constant 0 : i32
    %c0_i32_0 = arith.constant 0 : i32
    return %arg0, %c0_i32 : i32, i32
  }
}

</mosaic_0001>

<sc_bundles>
// kernel: kernel.4.cloned.1.call-start
scs
__scs_entry_jumppad:
0x0: {  	(pc) =	sbr.rel $0x88, $3  }
0x1: {  	(tag) =	ssettag $0x0;
	lr =	simm.s32 $0x1  }
0x2: {  	[smem:$0x3F9A] =	sst lr;
	_ =	strace $0xD0000000  }
0x3: {  	_ = 	snop  }
0x4: {  	_ = 	snop  }
0x5: {  	_ = 	snop  }
0x6: {  	_ = 	snop  }
0x7: {  	_ = 	snop  }
__scs_overlays_trampoline_lowered:
0x8: {  	[smem:$0x3FA9] =	sst s0  }
0x9: {  	[smem:$0x3FAA] =	sst s1  }
0xa: {  	[smem:$0x3FAB] =	sst s2  }
0xb: {  	[smem:$0x3FAC] =	sst s3  }
0xc: {  	[smem:$0x3FAD] =	sst s4  }
0xd: {  	[smem:$0x3FAE] =	sst s5  }
0xe: {  	[smem:$0x3FAF] =	sst s6  }
0xf: {  	[smem:$0x3FB0] =	sst s7  }
0x10: {  	[smem:$0x3FB1] =	sst s8  }
0x11: {  	[smem:$0x3FB2] =	sst s9;
	s0 =	simm.s32 @!p0 $0x0  }
0x12: {  	s1 =	sld [smem:$0x3F98];
	s0 =	simm.s32 @p0 $0x1  }
0x13: {  	[smem:$0x3FB3] =	sst s0;
	s0 =	simm.s32 @!p1 $0x0  }
0x14: {  	s2 =	sld [smem:$0x3F97];
	s0 =	simm.s32 @p1 $0x1  }
0x15: {  	[smem:$0x3FB4] =	sst s0;
	s0 =	simm.s32 @!p2 $0x0  }
0x16: {  	s3 =	sld [smem:$0x3FDB];
	s0 =	simm.s32 @p2 $0x1  }
0x17: {  	s4 =	simm.s32 $0x1BF5;
	[smem:$0x3FB6] =	sst s0  }
0x18: {  	s0 =	sld [smem:$0x3F99];
	_ =	swait.ge [sflag:s4], $0x0  }
0x19: {  	s7 =	sld [smem:$0x3F9A]  }
0x1a: {  	s8 =	sadd.s32 $0xFFFFE003, lr  }
0x1b: {  	s9 =	sadd.s32 $0xFFFFFEF7, lr;
	s5 =	simm.s32 $0xFFFFFFFF;
	p2 =	slt.u32 s8, $0xFFFFF086  }
0x1c: {  	p1 =	slt.u32 s9, $0xF7A;
	s5 =	simm.s32 @!p2 $0x0  }
0x1d: {  	s5 =	simm.s32 @p1 $0x1;
	p0 =	seq.s32 s7, s2  }
0x1e: {  	s7 =	smul.u32 @!p0 $0xF7A, s2;
	p2 =	seq.s32 @!p0 s5, $0x0  }
0x1f: {  	s9 =	smul.u32 $0xF7A, s1;
	s8 =	simm.s32 @!p0 $0x1BF5;
	p2 =	por !p2, p0  }
0x20: {  	[sflag:s8] =	ssyncset.s32 @!p0 $0xFFFFF086;
	s6 =	sadd.s32 @!p0 s3, s7;
	s7 =	simm.s32 @!p0 $0x108  }
0x21: {  	s3 =	sadd.s32 s3, s9;
	s6 =	sadd.s32 @!p0 $0x88, s6;
	s7 =	simm.s32 @p2 $0x1082  }
0x22: {  	[simem:s7], [sflag:s8] =	dma.local @!p0 [hbm:s6], $0xF7A  }
0x23: {  	s9 =	sor.u32 $0xD0000000, s2;
	s6 =	simm.s32 $0x108;
	_ =	swait.ge @!p0 [sflag:s8], $0x0  }
0x24: {  	s3 =	sadd.s32 $0x88, s3;
	s6 =	simm.s32 @!p1 $0x1082;
	[sflag:s4] =	ssyncset.s32 $0xFFFFF086  }
0x25: {  	[simem:s6], [sflag:s4] =	dma.local [hbm:s3], $0xF7A  }
0x26: {  	[smem:$0x3F9A] =	sst s1;
	(tag) =	ssettag s2;
	_ =	strace s9  }
0x27: {  	s1 =	sld [smem:$0x3FAA]  }
0x28: {  	s2 =	sld [smem:$0x3FAB]  }
0x29: {  	s4 =	sld [smem:$0x3FAD]  }
0x2a: {  	p0 =	seq.s32 s5, $0x0;
	s5 =	sld [smem:$0x3FAE]  }
0x2b: {  	s6 =	sld [smem:$0x3FAF]  }
0x2c: {  	s7 =	sld [smem:$0x3FB0]  }
0x2d: {  	s3 =	simm.s32 $0x108;
	s8 =	sld [smem:$0x3FB1]  }
0x2e: {  	s3 =	simm.s32 @!p0 $0x1082;
	s9 =	sld [smem:$0x3FB2]  }
0x2f: {  	lr =	sadd.s32 s0, s3;
	s0 =	sld [smem:$0x3FA9]  }
0x30: {  	s3 =	sld [smem:$0x3FAC]  }
0x31: {  	[smem:$0x3FB5] =	sst s10  }
0x32: {  	s10 =	sld [smem:$0x3FB3];
	_ =	sdelay $0x3  }
0x33: {  	p0 =	seq.s32 s10, $0x1;
	s10 =	sld [smem:$0x3FB5];
	_ =	sdelay $0x3  }
0x34: {  	[smem:$0x3FB5] =	sst s10  }
0x35: {  	s10 =	sld [smem:$0x3FB4];
	_ =	sdelay $0x3  }
0x36: {  	p1 =	seq.s32 s10, $0x1;
	s10 =	sld [smem:$0x3FB5];
	_ =	sdelay $0x3  }
0x37: {  	[smem:$0x3FB5] =	sst s10  }
0x38: {  	s10 =	sld [smem:$0x3FB6]  }
0x39: {  	_ = 	snop;
	(pc) =	sbr.ind lr, $3  }
0x3a: {  	_ = 	snop  }
0x3b: {  	_ = 	snop  }
0x3c: {  	p2 =	seq.s32 s10, $0x1;
	s10 =	sld [smem:$0x3FB5]  }
0x3d: {  	_ =	shalt  }
0x3e: {  	_ =	shalt  }
0x3f: {  	_ =	shalt  }
0x40: {  	_ =	shalt  }
0x41: {  	_ =	shalt  }
0x42: {  	_ =	shalt  }
0x43: {  	_ =	shalt  }
0x44: {  	_ =	shalt  }
0x45: {  	_ =	shalt  }
0x46: {  	_ =	shalt  }
0x47: {  	_ =	shalt  }
0x48: {  	_ =	shalt  }
0x49: {  	_ =	shalt  }
0x4a: {  	_ =	shalt  }
0x4b: {  	_ =	shalt  }
0x4c: {  	_ =	shalt  }
0x4d: {  	_ =	shalt  }
0x4e: {  	_ =	shalt  }
0x4f: {  	_ =	shalt  }
0x50: {  	_ =	shalt  }
0x51: {  	_ =	shalt  }
0x52: {  	_ =	shalt  }
0x53: {  	_ =	shalt  }
0x54: {  	_ =	shalt  }
0x55: {  	_ =	shalt  }
0x56: {  	_ =	shalt  }
0x57: {  	_ =	shalt  }
0x58: {  	_ =	shalt  }
0x59: {  	_ =	shalt  }
0x5a: {  	_ =	shalt  }
0x5b: {  	_ =	shalt  }
0x5c: {  	_ =	shalt  }
0x5d: {  	_ =	shalt  }
0x5e: {  	_ =	shalt  }
0x5f: {  	_ =	shalt  }
0x60: {  	_ =	shalt  }
0x61: {  	_ =	shalt  }
0x62: {  	_ =	shalt  }
0x63: {  	_ =	shalt  }
0x64: {  	_ =	shalt  }
0x65: {  	_ =	shalt  }
0x66: {  	_ =	shalt  }
0x67: {  	_ =	shalt  }
0x68: {  	_ =	shalt  }
0x69: {  	_ =	shalt  }
0x6a: {  	_ =	shalt  }
0x6b: {  	_ =	shalt  }
0x6c: {  	_ =	shalt  }
0x6d: {  	_ =	shalt  }
0x6e: {  	_ =	shalt  }
0x6f: {  	_ =	shalt  }
0x70: {  	_ =	shalt  }
0x71: {  	_ =	shalt  }
0x72: {  	_ =	shalt  }
0x73: {  	_ =	shalt  }
0x74: {  	_ =	shalt  }
0x75: {  	_ =	shalt  }
0x76: {  	_ =	shalt  }
0x77: {  	_ =	shalt  }
0x78: {  	_ =	shalt  }
0x79: {  	_ =	shalt  }
0x7a: {  	_ =	shalt  }
0x7b: {  	_ =	shalt  }
0x7c: {  	_ =	shalt  }
0x7d: {  	_ =	shalt  }
0x7e: {  	_ =	shalt  }
0x7f: {  	_ =	shalt  }
0x80: {  	_ =	shalt  }
0x81: {  	_ =	shalt  }
0x82: {  	_ =	shalt  }
0x83: {  	_ =	shalt  }
0x84: {  	_ =	shalt  }
0x85: {  	_ =	shalt  }
0x86: {  	_ =	shalt  }
0x87: {  	_ =	shalt  }
.Lfunc_end0:
.L_simem_size_0:
called_computation_lowered:
.L_overlay_start_0:
0x88: {  	s2 =	sld [smem:$0x3FD9]  }
0x89: {  	s3 =	sld [smem:$0x3FFE];
	_ =	sdelay $0x1  }
0x8a: {  	s1 =	srdreg.scid  }
0x8b: {  	s0 =	sand.u32 $0x1, s1  }
0x8c: {  	s17 =	sshll.u32 s0, $0xA;
	s2 =	sadd.s32 s3, s2  }
0x8d: {  	s2 =	sadd.s32 s2, s17  }
0x8e: {  	[smem:$0x3FC1] =	sst s2  }
0x8f: {  	_ = 	snop  }
0x90: {  	s2 =	sld [smem:$0x3FD0];
	(tm) =	ssettm $0x1  }
0x91: {  	s18 =	sld [smem:$0x3FFB];
	_ =	sdelay $0x3  }
0x92: {  	_ =	strace s18  }
0x93: {  	s3 =	sld [smem:$0x3FFC];
	_ =	sdelay $0x3  }
0x94: {  	_ =	strace s3  }
0x95: {  	s3 =	sld [smem:$0x3FFD];
	_ =	sdelay $0x3  }
0x96: {  	_ =	strace s3  }
0x97: {  	_ =	strace $0x8FFFFFFF  }
0x98: {  	s19 =	sld [smem:$0x3FDB];
	_ =	sdelay $0x1  }
0x99: {  	s4 =	simm.s32 $_scs_section_size  }
0x9a: {  	s5 =	simm.s32 $_size__tile_overlayer_lowered;
	s6 =	simm.s32 $_tile_overlayer_lowered  }
0x9b: {  	s22 =	simm.s32 $0x1BFF;
	s21 =	sshll.u32 s6, $0x1;
	s3 =	sadd.s32 s4, s19  }
0x9c: {  	s7 =	simm.s32 $0x0;
	s20 =	sshll.u32 s5, $0x1;
	s5 =	sadd.s32 s21, s3  }
0x9d: {  	[timem:s7], [sflag:s22] =	dma.local [hbm:s5], s20  }
0x9e: {  	_ =	swait.ge [sflag:s22], s20  }
0x9f: {  	s4 =	ssub.s32 $0x0, s20;
	[sflag:s22] =	ssyncset.done $0x0  }
0xa0: {  	[sflag:s22] =	ssyncadd.s32 s4;
	_ =	sdelay $0x1  }
0xa1: {  	s23 =	simm.s32 $0x1B8B  }
0xa2: {  	_ =	swait.ge [sflag:s23], $0x1  }
0xa3: {  	[sflag:s23] =	ssyncset.done $0x0  }
0xa4: {  	s25 =	simm.s32 $0x1B8E;
	s24 =	sld [smem:$0x3FFE];
	[sflag:s23] =	ssyncadd.s32 $0xFFFFFFFF  }
0xa5: {  	s26 =	simm.s32 $execute0_lowered;
	[smem:$0x3FD2] =	sst s25  }
0xa6: {  	s5 =	sshll.u32 s26, $0x1;
	_ =	strace $0x80000046;
	[dreg:$0x1] =	wrdreg $0xFFFFFFFF  }
0xa7: {  	s28 =	simm.s32 $_size_execute0_lowered;
	s3 =	sadd.s32 s3, s5;
	[dreg:$0x0] =	wrdreg $0x0  }
0xa8: {  	s5 =	sshll.u32 s28, $0x1;
	[dreg:$0x2] =	wrdreg s3  }
0xa9: {  	[dreg:$0x3] =	wrdreg s5  }
0xaa: {  	[dreg:$0x4] =	wrdreg $0xC0  }
0xab: {  	_ =	task [dreg:s7], $0x5FFFF  }
0xac: {  	[dreg:$0x1] =	wrdreg $0xFFFFFFFF  }
0xad: {  	[dreg:$0x0] =	wrdreg $0x60  }
0xae: {  	[dreg:$0x2] =	wrdreg s24  }
0xaf: {  	[dreg:$0x3] =	wrdreg s2  }
0xb0: {  	[dreg:$0x4] =	wrdreg $0x0  }
0xb1: {  	[dreg:$0x5] =	wrdreg $0x9  }
0xb2: {  	_ =	task.clear_ibuf [dreg:s7], $0x6FFFF;
	_ =	strace $0x90000046  }
0xb3: {  	s29 =	simm.s32 $0x9;
	_ =	strace $0x80000048  }
0xb4: {  	_ =	swait.ge [sflag:s29], $0x1  }
0xb5: {  	[sflag:s29] =	ssyncadd.s32 $0xFFFFFFFF  }
0xb6: {  	_ =	strace $0x90000048  }
0xb7: {  	_ =	sfence  }
0xb8: {  	s30 =	sld [smem:$0x0];
	_ =	sdelay $0x2  }
0xb9: {  	s31 =	sshll.u32 s1, $0xD;
	s1 =	sshrl.u32 s1, $0x2  }
0xba: {  	s3 =	sand.u32 $0x4000, s31;
	s1 =	sadd.s32 s1, s30  }
0xbb: {  	s0 =	sor.u32 s3, s0;
	s1 =	sshll.u32 s1, $0x11  }
0xbc: {  	s0 =	sor.u32 s1, s0  }
0xbd: {  	s0 =	sadd.s32 $0x8F2B, s0  }
0xbe: {  	[sflag:s0] =	ssyncadd.remote.s32 $0x1  }
0xbf: {  	_ =	sfence.sel $0xFFFF  }
0xc0: {  	[dreg:$0x0] =	wrdreg $0xFFFFFFFF;
	(pc) =	sbr.abs _section_cstart, $3  }
0xc1: {  	[dreg:$0x1] =	wrdreg $0xFFFFFFFF  }
0xc2: {  	_ =	task.clear_ibuf [dreg:s7], $0x2FFFF;
	_ =	strace $0x9FFFFFFF  }
0xc3: {  	(tm) =	ssettm $0x7FFFFFFF  }
tec
execute0_lowered:
.L_overlay_start_1:
0x0: {  	(tag) =	ssettag $0x1  }
0x1: {  	s3 =	rddreg [dreg:$0x0]  }
0x2: {  	s9 =	rddreg [dreg:$0x1]  }
0x3: {  	s13 =	stileid.u32;
	s2 =	rddreg [dreg:$0x2]  }
0x4: {  	s6 =	simm.s32 $0x0;
	s4 =	srdreg.scid;
	s20 =	simm.s32 $0x18720  }
0x5: {  	s22 =	simm.s32 $0x193A0;
	s23 =	simm.s32 $0x187A0;
	[smem:$0x7FF] =	sst s6  }
0x6: {  	s24 =	simm.s32 $0x19BA0;
	_ =	strace $0x80000047;
	[dreg:$0x4] =	wrdreg s20  }
0x7: {  	s25 =	simm.s32 $0x18820;
	s5 =	smul.u32 $0x9C4, s13;
	[dreg:$0x5] =	wrdreg s22  }
0x8: {  	s11 =	sand.u32 $0x1, s4;
	s30 =	smul.u32 $0x61A80, s13;
	[dreg:$0x6] =	wrdreg s23  }
0x9: {  	s4 =	sadd.s32 $0x186AA00, s3;
	s13 =	smul.u32 $0x186A0, s13;
	[dreg:$0x7] =	wrdreg s24  }
0xa: {  	s26 =	ssub.s32 $0x2, s11;
	s8 =	sshll.u32 s11, $0x4;
	[dreg:$0x8] =	wrdreg s25  }
0xb: {  	s11 =	smul.u32 $0x186A00, s11;
	s20 =	simm.s32 $0x1BBA0;
	s22 =	simm.s32 $0x1C3A0  }
0xc: {  	s24 =	simm.s32 $0x18AA0;
	s25 =	simm.s32 $0x1CBA0;
	[dreg:$0xf] =	wrdreg s20  }
0xd: {  	s0 =	sshrl.u32 s5, $0x4;
	s28 =	sshrl.u32 s26, $0x1;
	[dreg:$0x11] =	wrdreg s22  }
0xe: {  	s29 =	sadd.s32 $0x9C4, s5;
	[dreg:$0x12] =	wrdreg s24;
	s1 =	smul.u32 $0x50, s0  }
0xf: {  	[dreg:$0x13] =	wrdreg s25;
	s7 =	smul.u32 $0x5000, s0;
	s6 =	ssub.s32 s26, s28  }
0x10: {  	s5 =	sshrl.u32 s29, $0x4;
	s26 =	simm.s32 $0x1A3A0;
	s28 =	simm.s32 $0x188A0  }
0x11: {  	s29 =	simm.s32 $0x1ABA0;
	s11 =	sadd.s32 s13, s11;
	[dreg:$0x9] =	wrdreg s26  }
0x12: {  	s10 =	ssub.s32 s5, s0;
	p0 =	sne.s32 s5, s0;
	[dreg:$0xa] =	wrdreg s28  }
0x13: {  	[dreg:$0xb] =	wrdreg s29;
	s11 =	sshrl.u32 s11, $0x3;
	s28 =	simm.s32 $0x18B20  }
0x14: {  	s6 =	smax.u32 s6, $0x1;
	s0 =	sadd.s32 $0x3, s0;
	[dreg:$0x14] =	wrdreg s28  }
0x15: {  	s1 =	sadd.s32 s1, s3;
	s3 =	sor.u32 s8, s7;
	[smem:$0x7F7] =	sst s6  }
0x16: {  	s7 =	sshrl.u32 s30, $0x2;
	s30 =	simm.s32 $0x18920;
	[smem:$0x7FC] =	sst s0  }
0x17: {  	s9 =	sadd.s32 s9, s11;
	[dreg:$0xc] =	wrdreg s30  }
0x18: {  	[dreg:$0x1f] =	wrdreg s9;
	s30 =	simm.s32 $0x1D3A0  }
0x19: {  	s25 =	sadd.s32 $0xA00, s1;
	[dreg:$0x15] =	wrdreg s30  }
0x1a: {  	s28 =	sadd.s32 $0xA50, s1;
	[smem:$0x7F8] =	sst s25  }
0x1b: {  	s8 =	sshrl.u32 s3, $0x3;
	s1 =	sadd.s32 $0xAF0, s1;
	[smem:$0x7F9] =	sst s28  }
0x1c: {  	s7 =	sadd.s32 s7, s2;
	s8 =	sadd.s32 s4, s8;
	[smem:$0x7FA] =	sst s1  }
0x1d: {  	s15 =	sadd.s32 $0xFA0, s7;
	[dreg:$0x16] =	wrdreg s8  }
0x1e: {  	s16 =	sadd.s32 $0x1F40, s7;
	[dreg:$0x18] =	wrdreg s15  }
0x1f: {  	s18 =	sadd.s32 $0x3E80, s7;
	[dreg:$0x19] =	wrdreg s16  }
0x20: {  	s31 =	sadd.s32 s13, s2;
	s23 =	sadd.s32 $0x6D60, s7;
	[dreg:$0x1b] =	wrdreg s18  }
0x21: {  	s17 =	sand.u32 $0x8000, s10;
	s26 =	sadd.s32 $0x7D00, s7;
	[smem:$0x7E5] =	sst s23  }
0x22: {  	s12 =	sadd.s32 $0x5000, s3;
	s11 =	sadd.s32 $0xABE0, s7;
	[smem:$0x7E6] =	sst s26  }
0x23: {  	s12 =	sshrl.u32 s12, $0x3;
	s13 =	sadd.s32 $0xCB20, s7;
	[smem:$0x7E9] =	sst s11  }
0x24: {  	s20 =	sadd.s32 $0x128E0, s7;
	s22 =	sadd.s32 $0x14820, s7;
	[smem:$0x7EB] =	sst s13  }
0x25: {  	s24 =	sadd.s32 $0x16760, s7;
	s30 =	sadd.s32 $0xA000, s3;
	[smem:$0x7F1] =	sst s20  }
0x26: {  	s25 =	simm.s32 $0x6;
	s14 =	sadd.s32 s4, s12;
	[smem:$0x7F3] =	sst s22  }
0x27: {  	s15 =	sshra.s32 s10, $0x1F;
	s12 =	sshrl.u32 s17, $0xF;
	[smem:$0x7F5] =	sst s24  }
0x28: {  	s16 =	sadd.s32 $0x2EE0, s7;
	s8 =	sadd.s32 $0x4E20, s7;
	[smem:$0x7FD] =	sst s30  }
0x29: {  	s17 =	simm.s32 $0x1B3A0;
	s18 =	simm.s32 $0x189A0;
	[dreg:$0x17] =	wrdreg s14  }
0x2a: {  	s23 =	sadd.s32 $0x157C0, s7;
	s26 =	sadd.s32 $0xF000, s3;
	[dreg:$0x1a] =	wrdreg s16  }
0x2b: {  	s20 =	simm.s32 $0x3;
	s22 =	simm.s32 $0x2;
	[dreg:$0x1d] =	wrdreg s8  }
0x2c: {  	s24 =	simm.s32 $0x5;
	s14 =	simm.s32 $0x1;
	[dreg:$0xd] =	wrdreg s17  }
0x2d: {  	s12 =	sadd.s32 s12, s10;
	s16 =	simm.s32 $0x1;
	[dreg:$0xe] =	wrdreg s18  }
0x2e: {  	s8 =	sadd.s32 $0x8CA0, s7;
	s17 =	sadd.s32 $0xFA00, s7;
	[smem:$0x7F4] =	sst s23  }
0x2f: {  	s18 =	sadd.s32 $0x109A0, s7;
	s23 =	simm.s32 $0x4;
	[smem:$0x7E7] =	sst s8  }
0x30: {  	s14 =	simm.s32 @!p0 $0x0;
	s19 =	sand.u32 $0xFFFFFFFE, s12;
	[smem:$0x7EE] =	sst s17  }
0x31: {  	s12 =	sshra.s32 s12, $0x1;
	[smem:$0x7EF] =	sst s18;
	s17 =	simm.s32 $0x18BA0  }
0x32: {  	s18 =	simm.s32 $0x1DBA0;
	s14 =	sor.u32 s14, s15;
	s15 =	sadd.s32 $0xEA60, s7  }
0x33: {  	p6 =	sne.s32 s14, $0x1;
	s14 =	ssub.s32 s10, s19;
	s19 =	sadd.s32 $0x5DC0, s7  }
0x34: {  	[smem:$0x7ED] =	sst s15;
	s15 =	simm.s32 $0x1;
	s21 =	sand.u32 $0xFFFF, s14  }
0x35: {  	[dreg:$0x1e] =	wrdreg s19;
	s29 =	sand.u32 $0x1, s14;
	s14 =	sadd.s32 $0xDAC0, s7  }
0x36: {  	s19 =	sadd.s32 $0x11940, s7;
	p1 =	sne.s32 s21, $0x0;
	[smem:$0x7EC] =	sst s14  }
0x37: {  	s21 =	simm.s32 $0x18A20;
	[smem:$0x7F0] =	sst s19;
	p0 =	por !p1, !p6  }
0x38: {  	[dreg:$0x10] =	wrdreg s21;
	p1 =	seq.s32 s29, $0x0;
	s21 =	sadd.s32 $0x13880, s7  }
0x39: {  	s29 =	sshrl.u32 s26, $0x3;
	p0 =	por !p0, !p0;
	[smem:$0x7F2] =	sst s21  }
0x3a: {  	s1 =	sadd.s32 s29, s4;
	s16 =	simm.s32 @!p0 $0x0;
	p0 =	slt.s32 s10, $0x2  }
.Ltmp0:
0x3b: {  	s10 =	sadd.s32 $0x9C40, s7;
	[smem:$0x7FB] =	sst s1;
	(pc) =	sbr.rel .LBB2_1-.Ltmp0, $4  }
0x3c: {  	s16 =	ssub.s32 s12, s16;
	[smem:$0x7E8] =	sst s10;
	s12 =	sadd.s32 $0xBB80, s7  }
0x3d: {  	s19 =	simm.s32 $0x7;
	s7 =	sadd.s32 $0x17700, s7;
	[smem:$0x7EA] =	sst s12  }
0x3e: {  	s26 =	simm.s32 $0x0;
	s21 =	simm.s32 $0x80;
	[smem:$0x7F6] =	sst s7  }
0x3f: {  	v0 =	vimm.f32 $0.0e+00;
	[dreg:$0x1c] =	wrdreg s16;
	p2 =	slt.s32 s16, $0x1;
	s16 =	simm.s32 $0x186A0  }
.LBB2_6:
0x40: {  	_ =	swait.ge [sflag:s25], $0x800  }
0x41: {  	[sflag:s25] =	ssyncset.done $0x0  }
0x42: {  	[sflag:s25] =	ssyncadd.s32 $0xFFFFF800  }
0x43: {  	_ =	swait.ge [sflag:s25], $0x800  }
0x44: {  	[sflag:s25] =	ssyncset.done $0x0  }
0x45: {  	[sflag:s25] =	ssyncadd.s32 $0xFFFFF800  }
0x46: {  	_ =	swait.ge [sflag:s25], $0x800  }
0x47: {  	p3 =	sge.u32 s12, s5;
	[sflag:s25] =	ssyncset.done $0x0  }
0x48: {  	s0 =	simm.s32 @!p3 $0x0;
	s1 =	simm.s32 @!p3 $0x18920;
	[sflag:s25] =	ssyncadd.s32 $0xFFFFF800  }
0x49: {  	[tilespmem:s1], [sflag:$0x2] =	stream.linear.gather @!p3 [hbm4b:s10+s0], $0x280, $0x38;
	[tilespmem:$0x1EB40] =	vst v63  }
0x4a: {  	s3 =	simm.s32 @!p3 $0x1B3A0;
	s0 =	simm.s32 @!p3 $0x10;
	s1 =	simm.s32 @!p3 $0x20  }
0x4b: {  	[tilespmem:s3], [sflag:$0x4] =	stream.strided.gather @!p3 [hbm4b:s11+s0], $0x2800, s1, s0, $0x38;
	[tilespmem:$0x1EB40] =	vst v63  }
.LBB2_7:
0x4c: {  	s0 =	simm.s32 @!p1 $0x1  }
0x4d: {  	_ =	swait.ge @!p1 [sflag:s0], $0x280  }
0x4e: {  	[sflag:s0] =	ssyncset.done @!p1 $0x0  }
0x4f: {  	[sflag:s0] =	ssyncadd.s32 @!p1 $0xFFFFFD80;
	s0 =	simm.s32 @!p1 $0x3  }
0x50: {  	_ =	swait.ge @!p1 [sflag:s0], $0x2800  }
0x51: {  	s1 =	simm.s32 @!p1 $0x186A0;
	[sflag:s0] =	ssyncset.done @!p1 $0x0  }
0x52: {  	s3 =	simm.s32 @!p1 $0x18BA0;
	[sflag:s0] =	ssyncadd.s32 @!p1 $0xFFFFD800;
	s0 =	simm.s32 @!p1 $0x80  }
0x53: {  	[spmem:s2] =	stream.indirect.scatter.add.f32 @!p1 [tilespmem:s3], [sflag:$0x5], $0x10, s1, s0, $0xb8;
	[tilespmem:$0x1EB40] =	vst v63  }
0x54: {  	s1 =	simm.s32 @!p1 $0x18720;
	s3 =	simm.s32 @!p1 $0x193A0  }
0x55: {  	[spmem:s2] =	stream.indirect.scatter.add.f32 @!p1 [tilespmem:s3], [sflag:$0x5], $0x10, s1, s0, $0xb8;
	[tilespmem:$0x1EB40] =	vst v63  }
0x56: {  	s1 =	simm.s32 @!p1 $0x187A0;
	s3 =	simm.s32 @!p1 $0x19BA0  }
0x57: {  	[spmem:s2] =	stream.indirect.scatter.add.f32 @!p1 [tilespmem:s3], [sflag:$0x5], $0x10, s1, s0, $0xb8;
	[tilespmem:$0x1EB40] =	vst v63  }
0x58: {  	s1 =	simm.s32 @!p1 $0x18820;
	s3 =	simm.s32 @!p1 $0x1A3A0  }
0x59: {  	[spmem:s2] =	stream.indirect.scatter.add.f32 @!p1 [tilespmem:s3], [sflag:$0x5], $0x10, s1, s0, $0xb8;
	[tilespmem:$0x1EB40] =	vst v63  }
0x5a: {  	s1 =	simm.s32 @!p1 $0x188A0;
	s3 =	simm.s32 @!p1 $0x1ABA0  }
0x5b: {  	[spmem:s2] =	stream.indirect.scatter.add.f32 @!p1 [tilespmem:s3], [sflag:$0x5], $0x10, s1, s0, $0xb8;
	[tilespmem:$0x1EB40] =	vst v63  }
0x5c: {  	s0 =	simm.s32 @!p1 $0x5  }
0x5d: {  	_ =	swait.ge @!p1 [sflag:s0], $0x800  }
0x5e: {  	[sflag:s0] =	ssyncset.done @!p1 $0x0  }
0x5f: {  	[sflag:s0] =	ssyncadd.s32 @!p1 $0xFFFFF800  }
0x60: {  	_ =	swait.ge @!p1 [sflag:s0], $0x800  }
0x61: {  	[sflag:s0] =	ssyncset.done @!p1 $0x0  }
0x62: {  	[sflag:s0] =	ssyncadd.s32 @!p1 $0xFFFFF800  }
0x63: {  	_ =	swait.ge @!p1 [sflag:s0], $0x800  }
0x64: {  	[sflag:s0] =	ssyncset.done @!p1 $0x0  }
0x65: {  	[sflag:s0] =	ssyncadd.s32 @!p1 $0xFFFFF800  }
0x66: {  	_ =	swait.ge @!p1 [sflag:s0], $0x800  }
0x67: {  	[sflag:s0] =	ssyncset.done @!p1 $0x0  }
0x68: {  	[sflag:s0] =	ssyncadd.s32 @!p1 $0xFFFFF800  }
0x69: {  	_ =	swait.ge @!p1 [sflag:s0], $0x800  }
0x6a: {  	[sflag:s0] =	ssyncset.done @!p1 $0x0  }
0x6b: {  	s14 =	stileid.u32;
	[sflag:s0] =	ssyncadd.s32 @!p1 $0xFFFFF800  }
0x6c: {  	s0 =	sshll.u32 s14, $0x6;
	[bflag:$0x0] =	sbarrier.arrive $0xFFFF  }
0x6d: {  	s28 =	sshrl.u32 s31, $0x3;
	s0 =	sor.u32 $0x1C07, s0;
	s29 =	rddreg [dreg:$0x1f]  }
0x6e: {  	[hbm:s29], [sflag:s0] =	dma.local [spmem:s28], $0x30D4  }
0x6f: {  	_ =	swait.ge [sflag:s19], $0x30D4  }
0x70: {  	s30 =	sld [smem:$0x7F7];
	_ =	sdelay $0x1  }
0x71: {  	s26 =	sadd.s32 $0x1, s26  }
0x72: {  	p3 =	sne.s32 s26, s30  }
.Ltmp1:
0x73: {  	_ = 	snop;
	(pc) =	sbr.rel @!p3 .LBB2_8-.Ltmp1, $3  }
0x74: {  	_ =	sdelay $0x1  }
0x75: {  	[sflag:s19] =	ssyncset.done $0x0  }
0x76: {  	[sflag:s19] =	ssyncadd.s32 $0xFFFFCF2C  }
.LBB2_1:
0x77: {  	s1 =	sld [smem:$0x7F8];
	_ =	sdelay $0x1  }
0x78: {  	s0 =	simm.s32 $0x0  }
0x79: {  	[tilespmem:s16], [sflag:$0x1] =	stream.linear.gather [hbm4b:s1+s0], $0x280, $0x38;
	[tilespmem:$0x1EB40] =	vst v63  }
0x7a: {  	s29 =	rddreg [dreg:$0x16];
	s30 =	simm.s32 $0x10;
	s3 =	simm.s32 $0x20  }
0x7b: {  	[tilespmem:s17], [sflag:$0x3] =	stream.strided.gather [hbm4b:s29+s30], $0x2800, s3, s30, $0x38;
	[tilespmem:$0x1EB40] =	vst v63  }
0x7c: {  	s3 =	sld [smem:$0x7F9];
	_ =	sdelay $0x1  }
0x7d: {  	s6 =	rddreg [dreg:$0x17];
	s0 =	simm.s32 @!p0 $0x0;
	s1 =	simm.s32 @!p0 $0x18920  }
0x7e: {  	[tilespmem:s1], [sflag:$0x2] =	stream.linear.gather @!p0 [hbm4b:s3+s0], $0x280, $0x38;
	[tilespmem:$0x1EB40] =	vst v63  }
0x7f: {  	s0 =	simm.s32 @!p0 $0x10;
	s1 =	simm.s32 @!p0 $0x20;
	s3 =	simm.s32 @!p0 $0x1B3A0  }
0x80: {  	[tilespmem:s3], [sflag:$0x4] =	stream.strided.gather @!p0 [hbm4b:s6+s0], $0x2800, s1, s0, $0x38;
	[tilespmem:$0x1EB40] =	vst v63  }
0x81: {  	s0 =	simm.s32 $0x1DBC0  }
0x82: {  	[tilespmem:s0+$0xFFFFFFE0] =	vst v0  }
0x83: {  	[tilespmem:s0+$0x10] =	vst v0  }
0x84: {  	s1 =	simm.s32 $0x0;
	[tilespmem:s0+$0x0] =	vst v0  }
.LBB2_2:
0x85: {  	s1 =	sadd.s32 $0x4, s1  }
0x86: {  	[tilespmem:s0+$0xFFFFFFF0] =	vst v0;
	s0 =	sadd.s32 $0x40, s0;
	p3 =	slt.u32 s1, $0xF4  }
.Ltmp2:
0x87: {  	[tilespmem:s0+$0xFFFFFFE0] =	vst v0;
	(pc) =	sbr.rel @p3 .LBB2_2-.Ltmp2, $3  }
0x88: {  	_ =	sdelay $0x1  }
0x89: {  	[tilespmem:s0+$0x10] =	vst v0  }
0x8a: {  	[tilespmem:s0+$0x0] =	vst v0  }
0x8b: {  	[tilespmem:s0+$0xFFFFFFF0] =	vst v0  }
0x8c: {  	[tilespmem:$0x1EB20] =	vst v0  }
0x8d: {  	[tilespmem:$0x1EB30] =	vst v0  }
0x8e: {  	[spmem:s31] =	stream.linear.scatter [tilespmem:s18], [sflag:$0x7], $0xFA0, $0x38;
	[tilespmem:$0x1EB40] =	vst v63  }
0x8f: {  	_ =	swait.ge [sflag:s19], $0xFA0  }
0x90: {  	[sflag:s19] =	ssyncset.done $0x0  }
0x91: {  	s8 =	rddreg [dreg:$0x18];
	[sflag:s19] =	ssyncadd.s32 $0xFFFFF060  }
0x92: {  	[spmem:s8] =	stream.linear.scatter [tilespmem:s18], [sflag:$0x7], $0xFA0, $0x38;
	[tilespmem:$0x1EB40] =	vst v63  }
0x93: {  	_ =	swait.ge [sflag:s19], $0xFA0  }
0x94: {  	[sflag:s19] =	ssyncset.done $0x0  }
0x95: {  	s9 =	rddreg [dreg:$0x19];
	[sflag:s19] =	ssyncadd.s32 $0xFFFFF060  }
0x96: {  	[spmem:s9] =	stream.linear.scatter [tilespmem:s18], [sflag:$0x7], $0xFA0, $0x38;
	[tilespmem:$0x1EB40] =	vst v63  }
0x97: {  	_ =	swait.ge [sflag:s19], $0xFA0  }
0x98: {  	[sflag:s19] =	ssyncset.done $0x0  }
0x99: {  	s10 =	rddreg [dreg:$0x1a];
	[sflag:s19] =	ssyncadd.s32 $0xFFFFF060  }
0x9a: {  	[spmem:s10] =	stream.linear.scatter [tilespmem:s18], [sflag:$0x7], $0xFA0, $0x38;
	[tilespmem:$0x1EB40] =	vst v63  }
0x9b: {  	_ =	swait.ge [sflag:s19], $0xFA0  }
0x9c: {  	[sflag:s19] =	ssyncset.done $0x0  }
0x9d: {  	s11 =	rddreg [dreg:$0x1b];
	[sflag:s19] =	ssyncadd.s32 $0xFFFFF060  }
0x9e: {  	[spmem:s11] =	stream.linear.scatter [tilespmem:s18], [sflag:$0x7], $0xFA0, $0x38;
	[tilespmem:$0x1EB40] =	vst v63  }
0x9f: {  	_ =	swait.ge [sflag:s19], $0xFA0  }
0xa0: {  	[sflag:s19] =	ssyncset.done $0x0  }
0xa1: {  	s12 =	rddreg [dreg:$0x1d];
	[sflag:s19] =	ssyncadd.s32 $0xFFFFF060  }
0xa2: {  	[spmem:s12] =	stream.linear.scatter [tilespmem:s18], [sflag:$0x7], $0xFA0, $0x38;
	[tilespmem:$0x1EB40] =	vst v63  }
0xa3: {  	_ =	swait.ge [sflag:s19], $0xFA0  }
0xa4: {  	[sflag:s19] =	ssyncset.done $0x0  }
0xa5: {  	s13 =	rddreg [dreg:$0x1e];
	[sflag:s19] =	ssyncadd.s32 $0xFFFFF060  }
0xa6: {  	[spmem:s13] =	stream.linear.scatter [tilespmem:s18], [sflag:$0x7], $0xFA0, $0x38;
	[tilespmem:$0x1EB40] =	vst v63  }
0xa7: {  	_ =	swait.ge [sflag:s19], $0xFA0  }
0xa8: {  	s14 =	sld [smem:$0x7E5]  }
0xa9: {  	[sflag:s19] =	ssyncset.done $0x0  }
0xaa: {  	[sflag:s19] =	ssyncadd.s32 $0xFFFFF060  }
0xab: {  	[spmem:s14] =	stream.linear.scatter [tilespmem:s18], [sflag:$0x7], $0xFA0, $0x38;
	[tilespmem:$0x1EB40] =	vst v63  }
0xac: {  	_ =	swait.ge [sflag:s19], $0xFA0  }
0xad: {  	s28 =	sld [smem:$0x7E6]  }
0xae: {  	[sflag:s19] =	ssyncset.done $0x0  }
0xaf: {  	[sflag:s19] =	ssyncadd.s32 $0xFFFFF060  }
0xb0: {  	[spmem:s28] =	stream.linear.scatter [tilespmem:s18], [sflag:$0x7], $0xFA0, $0x38;
	[tilespmem:$0x1EB40] =	vst v63  }
0xb1: {  	_ =	swait.ge [sflag:s19], $0xFA0  }
0xb2: {  	s29 =	sld [smem:$0x7E7]  }
0xb3: {  	[sflag:s19] =	ssyncset.done $0x0  }
0xb4: {  	[sflag:s19] =	ssyncadd.s32 $0xFFFFF060  }
0xb5: {  	[spmem:s29] =	stream.linear.scatter [tilespmem:s18], [sflag:$0x7], $0xFA0, $0x38;
	[tilespmem:$0x1EB40] =	vst v63  }
0xb6: {  	_ =	swait.ge [sflag:s19], $0xFA0  }
0xb7: {  	s30 =	sld [smem:$0x7E8]  }
0xb8: {  	[sflag:s19] =	ssyncset.done $0x0  }
0xb9: {  	[sflag:s19] =	ssyncadd.s32 $0xFFFFF060  }
0xba: {  	[spmem:s30] =	stream.linear.scatter [tilespmem:s18], [sflag:$0x7], $0xFA0, $0x38;
	[tilespmem:$0x1EB40] =	vst v63  }
0xbb: {  	_ =	swait.ge [sflag:s19], $0xFA0  }
0xbc: {  	s1 =	sld [smem:$0x7E9]  }
0xbd: {  	[sflag:s19] =	ssyncset.done $0x0  }
0xbe: {  	[sflag:s19] =	ssyncadd.s32 $0xFFFFF060  }
0xbf: {  	[spmem:s1] =	stream.linear.scatter [tilespmem:s18], [sflag:$0x7], $0xFA0, $0x38;
	[tilespmem:$0x1EB40] =	vst v63  }
0xc0: {  	_ =	swait.ge [sflag:s19], $0xFA0  }
0xc1: {  	s3 =	sld [smem:$0x7EA]  }
0xc2: {  	[sflag:s19] =	ssyncset.done $0x0  }
0xc3: {  	[sflag:s19] =	ssyncadd.s32 $0xFFFFF060  }
0xc4: {  	[spmem:s3] =	stream.linear.scatter [tilespmem:s18], [sflag:$0x7], $0xFA0, $0x38;
	[tilespmem:$0x1EB40] =	vst v63  }
0xc5: {  	_ =	swait.ge [sflag:s19], $0xFA0  }
0xc6: {  	s6 =	sld [smem:$0x7EB]  }
0xc7: {  	[sflag:s19] =	ssyncset.done $0x0  }
0xc8: {  	[sflag:s19] =	ssyncadd.s32 $0xFFFFF060  }
0xc9: {  	[spmem:s6] =	stream.linear.scatter [tilespmem:s18], [sflag:$0x7], $0xFA0, $0x38;
	[tilespmem:$0x1EB40] =	vst v63  }
0xca: {  	_ =	swait.ge [sflag:s19], $0xFA0  }
0xcb: {  	s7 =	sld [smem:$0x7EC]  }
0xcc: {  	[sflag:s19] =	ssyncset.done $0x0  }
0xcd: {  	[sflag:s19] =	ssyncadd.s32 $0xFFFFF060  }
0xce: {  	[spmem:s7] =	stream.linear.scatter [tilespmem:s18], [sflag:$0x7], $0xFA0, $0x38;
	[tilespmem:$0x1EB40] =	vst v63  }
0xcf: {  	_ =	swait.ge [sflag:s19], $0xFA0  }
0xd0: {  	s8 =	sld [smem:$0x7ED]  }
0xd1: {  	[sflag:s19] =	ssyncset.done $0x0  }
0xd2: {  	[sflag:s19] =	ssyncadd.s32 $0xFFFFF060  }
0xd3: {  	[spmem:s8] =	stream.linear.scatter [tilespmem:s18], [sflag:$0x7], $0xFA0, $0x38;
	[tilespmem:$0x1EB40] =	vst v63  }
0xd4: {  	_ =	swait.ge [sflag:s19], $0xFA0  }
0xd5: {  	s9 =	sld [smem:$0x7EE]  }
0xd6: {  	[sflag:s19] =	ssyncset.done $0x0  }
0xd7: {  	[sflag:s19] =	ssyncadd.s32 $0xFFFFF060  }
0xd8: {  	[spmem:s9] =	stream.linear.scatter [tilespmem:s18], [sflag:$0x7], $0xFA0, $0x38;
	[tilespmem:$0x1EB40] =	vst v63  }
0xd9: {  	_ =	swait.ge [sflag:s19], $0xFA0  }
0xda: {  	s10 =	sld [smem:$0x7EF]  }
0xdb: {  	[sflag:s19] =	ssyncset.done $0x0  }
0xdc: {  	[sflag:s19] =	ssyncadd.s32 $0xFFFFF060  }
0xdd: {  	[spmem:s10] =	stream.linear.scatter [tilespmem:s18], [sflag:$0x7], $0xFA0, $0x38;
	[tilespmem:$0x1EB40] =	vst v63  }
0xde: {  	_ =	swait.ge [sflag:s19], $0xFA0  }
0xdf: {  	s11 =	sld [smem:$0x7F0]  }
0xe0: {  	[sflag:s19] =	ssyncset.done $0x0  }
0xe1: {  	[sflag:s19] =	ssyncadd.s32 $0xFFFFF060  }
0xe2: {  	[spmem:s11] =	stream.linear.scatter [tilespmem:s18], [sflag:$0x7], $0xFA0, $0x38;
	[tilespmem:$0x1EB40] =	vst v63  }
0xe3: {  	_ =	swait.ge [sflag:s19], $0xFA0  }
0xe4: {  	s12 =	sld [smem:$0x7F1]  }
0xe5: {  	[sflag:s19] =	ssyncset.done $0x0  }
0xe6: {  	[sflag:s19] =	ssyncadd.s32 $0xFFFFF060  }
0xe7: {  	[spmem:s12] =	stream.linear.scatter [tilespmem:s18], [sflag:$0x7], $0xFA0, $0x38;
	[tilespmem:$0x1EB40] =	vst v63  }
0xe8: {  	_ =	swait.ge [sflag:s19], $0xFA0  }
0xe9: {  	s13 =	sld [smem:$0x7F2]  }
0xea: {  	[sflag:s19] =	ssyncset.done $0x0  }
0xeb: {  	[sflag:s19] =	ssyncadd.s32 $0xFFFFF060  }
0xec: {  	[spmem:s13] =	stream.linear.scatter [tilespmem:s18], [sflag:$0x7], $0xFA0, $0x38;
	[tilespmem:$0x1EB40] =	vst v63  }
0xed: {  	_ =	swait.ge [sflag:s19], $0xFA0  }
0xee: {  	s14 =	sld [smem:$0x7F3]  }
0xef: {  	[sflag:s19] =	ssyncset.done $0x0  }
0xf0: {  	[sflag:s19] =	ssyncadd.s32 $0xFFFFF060  }
0xf1: {  	[spmem:s14] =	stream.linear.scatter [tilespmem:s18], [sflag:$0x7], $0xFA0, $0x38;
	[tilespmem:$0x1EB40] =	vst v63  }
0xf2: {  	_ =	swait.ge [sflag:s19], $0xFA0  }
0xf3: {  	s28 =	sld [smem:$0x7F4]  }
0xf4: {  	[sflag:s19] =	ssyncset.done $0x0  }
0xf5: {  	[sflag:s19] =	ssyncadd.s32 $0xFFFFF060  }
0xf6: {  	[spmem:s28] =	stream.linear.scatter [tilespmem:s18], [sflag:$0x7], $0xFA0, $0x38;
	[tilespmem:$0x1EB40] =	vst v63  }
0xf7: {  	_ =	swait.ge [sflag:s19], $0xFA0  }
0xf8: {  	s29 =	sld [smem:$0x7F5]  }
0xf9: {  	[sflag:s19] =	ssyncset.done $0x0  }
0xfa: {  	[sflag:s19] =	ssyncadd.s32 $0xFFFFF060  }
0xfb: {  	[spmem:s29] =	stream.linear.scatter [tilespmem:s18], [sflag:$0x7], $0xFA0, $0x38;
	[tilespmem:$0x1EB40] =	vst v63  }
0xfc: {  	_ =	swait.ge [sflag:s19], $0xFA0  }
0xfd: {  	s30 =	sld [smem:$0x7F6]  }
0xfe: {  	[sflag:s19] =	ssyncset.done $0x0  }
0xff: {  	[sflag:s19] =	ssyncadd.s32 $0xFFFFF060  }
0x100: {  	[spmem:s30] =	stream.linear.scatter [tilespmem:s18], [sflag:$0x7], $0xFA0, $0x38;
	[tilespmem:$0x1EB40] =	vst v63  }
.Ltmp3:
0x101: {  	_ =	swait.ge [sflag:s19], $0xFA0;
	(pc) =	sbr.rel @p2 .LBB2_7-.Ltmp3, $3  }
0x102: {  	[sflag:s19] =	ssyncset.done $0x0  }
0x103: {  	[sflag:s19] =	ssyncadd.s32 $0xFFFFF060  }
0x104: {  	[bflag:$0x0] =	sbarrier.arrive $0xFFFF;
	_ =	sdelay $0x1  }
0x105: {  	_ =	swait.ge [sflag:s15], $0x280  }
0x106: {  	[sflag:s15] =	ssyncset.done $0x0  }
0x107: {  	[sflag:s15] =	ssyncadd.s32 $0xFFFFFD80  }
0x108: {  	_ =	swait.ge [sflag:s20], $0x2800  }
0x109: {  	s0 =	rddreg [dreg:$0x9]  }
0x10a: {  	s1 =	rddreg [dreg:$0x6]  }
0x10b: {  	s3 =	rddreg [dreg:$0x4];
	[sflag:s20] =	ssyncset.done $0x0  }
0x10c: {  	s10 =	rddreg [dreg:$0x7];
	[sflag:s20] =	ssyncadd.s32 $0xFFFFD800  }
0x10d: {  	[spmem:s2] =	stream.indirect.scatter.add.f32 [tilespmem:s17], [sflag:$0x5], $0x10, s16, s21, $0xb8;
	[tilespmem:$0x1EB40] =	vst v63  }
0x10e: {  	s11 =	rddreg [dreg:$0x5]  }
0x10f: {  	[spmem:s2] =	stream.indirect.scatter.add.f32 [tilespmem:s11], [sflag:$0x5], $0x10, s3, s21, $0xb8;
	[tilespmem:$0x1EB40] =	vst v63  }
0x110: {  	s12 =	rddreg [dreg:$0xa]  }
0x111: {  	[spmem:s2] =	stream.indirect.scatter.add.f32 [tilespmem:s10], [sflag:$0x5], $0x10, s1, s21, $0xb8;
	[tilespmem:$0x1EB40] =	vst v63  }
0x112: {  	s9 =	rddreg [dreg:$0x8]  }
0x113: {  	[spmem:s2] =	stream.indirect.scatter.add.f32 [tilespmem:s0], [sflag:$0x5], $0x10, s9, s21, $0xb8;
	[tilespmem:$0x1EB40] =	vst v63  }
0x114: {  	s11 =	rddreg [dreg:$0xb]  }
0x115: {  	[spmem:s2] =	stream.indirect.scatter.add.f32 [tilespmem:s11], [sflag:$0x5], $0x10, s12, s21, $0xb8;
	[tilespmem:$0x1EB40] =	vst v63  }
0x116: {  	_ =	swait.ge [sflag:s22], $0x280  }
0x117: {  	[sflag:s22] =	ssyncset.done $0x0  }
0x118: {  	[sflag:s22] =	ssyncadd.s32 $0xFFFFFD80  }
0x119: {  	_ =	swait.ge [sflag:s23], $0x2800  }
0x11a: {  	s13 =	rddreg [dreg:$0xe]  }
0x11b: {  	s14 =	rddreg [dreg:$0xf]  }
0x11c: {  	s28 =	rddreg [dreg:$0x11]  }
0x11d: {  	s6 =	rddreg [dreg:$0xc]  }
0x11e: {  	s7 =	rddreg [dreg:$0xd];
	[sflag:s23] =	ssyncset.done $0x0  }
0x11f: {  	s8 =	rddreg [dreg:$0x10];
	[sflag:s23] =	ssyncadd.s32 $0xFFFFD800  }
0x120: {  	[spmem:s2] =	stream.indirect.scatter.add.f32 [tilespmem:s7], [sflag:$0x6], $0x10, s6, s21, $0xb8;
	[tilespmem:$0x1EB40] =	vst v63  }
0x121: {  	s29 =	rddreg [dreg:$0x15]  }
0x122: {  	[spmem:s2] =	stream.indirect.scatter.add.f32 [tilespmem:s14], [sflag:$0x6], $0x10, s13, s21, $0xb8;
	[tilespmem:$0x1EB40] =	vst v63  }
0x123: {  	s9 =	rddreg [dreg:$0x13]  }
0x124: {  	[spmem:s2] =	stream.indirect.scatter.add.f32 [tilespmem:s28], [sflag:$0x6], $0x10, s8, s21, $0xb8;
	[tilespmem:$0x1EB40] =	vst v63  }
0x125: {  	s11 =	rddreg [dreg:$0x12]  }
0x126: {  	[spmem:s2] =	stream.indirect.scatter.add.f32 [tilespmem:s9], [sflag:$0x6], $0x10, s11, s21, $0xb8;
	[tilespmem:$0x1EB40] =	vst v63  }
0x127: {  	s13 =	rddreg [dreg:$0x14]  }
0x128: {  	[spmem:s2] =	stream.indirect.scatter.add.f32 [tilespmem:s29], [sflag:$0x6], $0x10, s13, s21, $0xb8;
	[tilespmem:$0x1EB40] =	vst v63  }
0x129: {  	_ =	swait.ge [sflag:s24], $0x800  }
0x12a: {  	[sflag:s24] =	ssyncset.done $0x0  }
0x12b: {  	[sflag:s24] =	ssyncadd.s32 $0xFFFFF800  }
0x12c: {  	_ =	swait.ge [sflag:s24], $0x800  }
0x12d: {  	[sflag:s24] =	ssyncset.done $0x0  }
0x12e: {  	[sflag:s24] =	ssyncadd.s32 $0xFFFFF800  }
0x12f: {  	_ =	swait.ge [sflag:s24], $0x800  }
0x130: {  	[sflag:s24] =	ssyncset.done $0x0  }
0x131: {  	[sflag:s24] =	ssyncadd.s32 $0xFFFFF800  }
0x132: {  	_ =	swait.ge [sflag:s24], $0x800  }
0x133: {  	s12 =	sld [smem:$0x7FC];
	[sflag:s24] =	ssyncset.done $0x0  }
0x134: {  	[sflag:s24] =	ssyncadd.s32 $0xFFFFF800  }
0x135: {  	s6 =	sld [smem:$0x7FA];
	_ =	swait.ge [sflag:s24], $0x800  }
0x136: {  	s14 =	sadd.s32 $0xFFFFFFFF, s12;
	s7 =	sld [smem:$0x7FD]  }
0x137: {  	[sflag:s24] =	ssyncset.done $0x0;
	p3 =	sge.u32 s14, s5  }
0x138: {  	[sflag:s24] =	ssyncadd.s32 $0xFFFFF800;
	s0 =	sadd.s32 @!p3 $0xFFFFFFB0, s6;
	s1 =	simm.s32 @!p3 $0x18BA0  }
0x139: {  	s3 =	simm.s32 @!p3 $0x0;
	s11 =	simm.s32 @!p3 $0x186A0;
	s10 =	sshrl.u32 @!p3 s7, $0x3  }
0x13a: {  	[tilespmem:s11], [sflag:$0x1] =	stream.linear.gather @!p3 [hbm4b:s0+s3], $0x280, $0x38;
	[tilespmem:$0x1EB40] =	vst v63  }
0x13b: {  	s3 =	simm.s32 @!p3 $0x10;
	s0 =	sadd.s32 @!p3 s4, s10;
	s10 =	simm.s32 @!p3 $0x20  }
0x13c: {  	[tilespmem:s1], [sflag:$0x3] =	stream.strided.gather @!p3 [hbm4b:s0+s3], $0x2800, s10, s3, $0x38;
	[tilespmem:$0x1EB40] =	vst v63  }
0x13d: {  	_ =	swait.ge [sflag:s25], $0x800  }
0x13e: {  	s28 =	rddreg [dreg:$0x1c]  }
0x13f: {  	[sflag:s25] =	ssyncset.done $0x0;
	s30 =	sadd.s32 $0xFFFFFFFF, s28  }
0x140: {  	[sflag:s25] =	ssyncadd.s32 $0xFFFFF800;
	p3 =	sne.s32 s30, $0x0  }
.Ltmp4:
0x141: {  	_ =	swait.ge [sflag:s25], $0x800;
	(pc) =	sbr.rel @!p3 .LBB2_6-.Ltmp4, $4  }
0x142: {  	s11 =	sld [smem:$0x7FB]  }
0x143: {  	s29 =	smov.u32 s6  }
0x144: {  	s1 =	sadd.s32 $0xA000, s7;
	s0 =	sadd.s32 $0x2, s12;
	[sflag:s25] =	ssyncset.done $0x0  }
0x145: {  	s10 =	smov.u32 s6;
	[sflag:s25] =	ssyncadd.s32 $0xFFFFF800;
	s3 =	sadd.s32 $0x1400, s11  }
.LBB2_5:
0x146: {  	_ =	swait.ge [sflag:s25], $0x800  }
0x147: {  	[sflag:s25] =	ssyncset.done $0x0  }
0x148: {  	[sflag:s25] =	ssyncadd.s32 $0xFFFFF800  }
0x149: {  	_ =	swait.ge [sflag:s25], $0x800  }
0x14a: {  	[sflag:s25] =	ssyncset.done $0x0  }
0x14b: {  	[sflag:s25] =	ssyncadd.s32 $0xFFFFF800  }
0x14c: {  	_ =	swait.ge [sflag:s25], $0x800  }
0x14d: {  	p4 =	sge.u32 s12, s5;
	[sflag:s25] =	ssyncset.done $0x0  }
0x14e: {  	s6 =	simm.s32 @!p4 $0x0;
	s7 =	simm.s32 @!p4 $0x18920;
	[sflag:s25] =	ssyncadd.s32 $0xFFFFF800  }
0x14f: {  	[tilespmem:s7], [sflag:$0x2] =	stream.linear.gather @!p4 [hbm4b:s10+s6], $0x280, $0x38;
	[tilespmem:$0x1EB40] =	vst v63  }
0x150: {  	s9 =	simm.s32 @!p4 $0x10;
	s14 =	simm.s32 @!p4 $0x20;
	s6 =	simm.s32 @!p4 $0x1B3A0  }
0x151: {  	[tilespmem:s6], [sflag:$0x4] =	stream.strided.gather @!p4 [hbm4b:s11+s9], $0x2800, s14, s9, $0x38;
	[tilespmem:$0x1EB40] =	vst v63  }
0x152: {  	_ =	swait.ge [sflag:s15], $0x280  }
0x153: {  	[sflag:s15] =	ssyncset.done $0x0  }
0x154: {  	[sflag:s15] =	ssyncadd.s32 $0xFFFFFD80  }
0x155: {  	_ =	swait.ge [sflag:s20], $0x2800  }
0x156: {  	s6 =	rddreg [dreg:$0x9]  }
0x157: {  	s7 =	rddreg [dreg:$0x6]  }
0x158: {  	s13 =	rddreg [dreg:$0x4];
	[sflag:s20] =	ssyncset.done $0x0  }
0x159: {  	s14 =	rddreg [dreg:$0x7];
	[sflag:s20] =	ssyncadd.s32 $0xFFFFD800  }
0x15a: {  	[spmem:s2] =	stream.indirect.scatter.add.f32 [tilespmem:s17], [sflag:$0x5], $0x10, s16, s21, $0xb8;
	[tilespmem:$0x1EB40] =	vst v63  }
0x15b: {  	s28 =	rddreg [dreg:$0x5]  }
0x15c: {  	[spmem:s2] =	stream.indirect.scatter.add.f32 [tilespmem:s28], [sflag:$0x5], $0x10, s13, s21, $0xb8;
	[tilespmem:$0x1EB40] =	vst v63  }
0x15d: {  	s8 =	rddreg [dreg:$0xa]  }
0x15e: {  	[spmem:s2] =	stream.indirect.scatter.add.f32 [tilespmem:s14], [sflag:$0x5], $0x10, s7, s21, $0xb8;
	[tilespmem:$0x1EB40] =	vst v63  }
0x15f: {  	s13 =	rddreg [dreg:$0x8]  }
0x160: {  	[spmem:s2] =	stream.indirect.scatter.add.f32 [tilespmem:s6], [sflag:$0x5], $0x10, s13, s21, $0xb8;
	[tilespmem:$0x1EB40] =	vst v63  }
0x161: {  	s28 =	rddreg [dreg:$0xb]  }
0x162: {  	[spmem:s2] =	stream.indirect.scatter.add.f32 [tilespmem:s28], [sflag:$0x5], $0x10, s8, s21, $0xb8;
	[tilespmem:$0x1EB40] =	vst v63  }
0x163: {  	_ =	swait.ge [sflag:s22], $0x280  }
0x164: {  	[sflag:s22] =	ssyncset.done $0x0  }
0x165: {  	[sflag:s22] =	ssyncadd.s32 $0xFFFFFD80  }
0x166: {  	_ =	swait.ge [sflag:s23], $0x2800  }
0x167: {  	s6 =	rddreg [dreg:$0xe]  }
0x168: {  	s7 =	rddreg [dreg:$0xf]  }
0x169: {  	s8 =	rddreg [dreg:$0x11]  }
0x16a: {  	s9 =	rddreg [dreg:$0xc]  }
0x16b: {  	[sflag:s23] =	ssyncset.done $0x0;
	s14 =	rddreg [dreg:$0xd]  }
0x16c: {  	s28 =	rddreg [dreg:$0x10];
	[sflag:s23] =	ssyncadd.s32 $0xFFFFD800  }
0x16d: {  	[spmem:s2] =	stream.indirect.scatter.add.f32 [tilespmem:s14], [sflag:$0x6], $0x10, s9, s21, $0xb8;
	[tilespmem:$0x1EB40] =	vst v63  }
0x16e: {  	s13 =	rddreg [dreg:$0x15]  }
0x16f: {  	[spmem:s2] =	stream.indirect.scatter.add.f32 [tilespmem:s7], [sflag:$0x6], $0x10, s6, s21, $0xb8;
	[tilespmem:$0x1EB40] =	vst v63  }
0x170: {  	s9 =	rddreg [dreg:$0x13]  }
0x171: {  	[spmem:s2] =	stream.indirect.scatter.add.f32 [tilespmem:s8], [sflag:$0x6], $0x10, s28, s21, $0xb8;
	[tilespmem:$0x1EB40] =	vst v63  }
0x172: {  	s7 =	rddreg [dreg:$0x12]  }
0x173: {  	[spmem:s2] =	stream.indirect.scatter.add.f32 [tilespmem:s9], [sflag:$0x6], $0x10, s7, s21, $0xb8;
	[tilespmem:$0x1EB40] =	vst v63  }
0x174: {  	s14 =	rddreg [dreg:$0x14]  }
0x175: {  	[spmem:s2] =	stream.indirect.scatter.add.f32 [tilespmem:s13], [sflag:$0x6], $0x10, s14, s21, $0xb8;
	[tilespmem:$0x1EB40] =	vst v63  }
0x176: {  	_ =	swait.ge [sflag:s24], $0x800  }
0x177: {  	[sflag:s24] =	ssyncset.done $0x0  }
0x178: {  	[sflag:s24] =	ssyncadd.s32 $0xFFFFF800  }
0x179: {  	_ =	swait.ge [sflag:s24], $0x800  }
0x17a: {  	[sflag:s24] =	ssyncset.done $0x0  }
0x17b: {  	[sflag:s24] =	ssyncadd.s32 $0xFFFFF800  }
0x17c: {  	_ =	swait.ge [sflag:s24], $0x800  }
0x17d: {  	[sflag:s24] =	ssyncset.done $0x0  }
0x17e: {  	[sflag:s24] =	ssyncadd.s32 $0xFFFFF800  }
0x17f: {  	_ =	swait.ge [sflag:s24], $0x800  }
0x180: {  	s28 =	sadd.s32 $0xFFFFFFFF, s0;
	[sflag:s24] =	ssyncset.done $0x0  }
0x181: {  	s29 =	sadd.s32 $0xA0, s29;
	p4 =	sge.u32 s28, s5;
	[sflag:s24] =	ssyncadd.s32 $0xFFFFF800  }
0x182: {  	s30 =	sadd.s32 $0xFFFFFFFF, s30;
	s6 =	sadd.s32 @!p4 $0xFFFFFFB0, s29;
	_ =	swait.ge [sflag:s24], $0x800  }
0x183: {  	s7 =	simm.s32 @!p4 $0x18BA0;
	s8 =	simm.s32 @!p4 $0x0;
	[sflag:s24] =	ssyncset.done $0x0  }
0x184: {  	s9 =	sshrl.u32 @!p4 s1, $0x3;
	s13 =	simm.s32 @!p4 $0x186A0;
	[sflag:s24] =	ssyncadd.s32 $0xFFFFF800  }
0x185: {  	[tilespmem:s13], [sflag:$0x1] =	stream.linear.gather @!p4 [hbm4b:s6+s8], $0x280, $0x38;
	[tilespmem:$0x1EB40] =	vst v63  }
0x186: {  	s9 =	sadd.s32 @!p4 s4, s9;
	s6 =	simm.s32 @!p4 $0x10;
	s8 =	simm.s32 @!p4 $0x20  }
0x187: {  	[tilespmem:s7], [sflag:$0x3] =	stream.strided.gather @!p4 [hbm4b:s9+s6], $0x2800, s8, s6, $0x38;
	[tilespmem:$0x1EB40] =	vst v63  }
0x188: {  	p3 =	sne.s32 s30, $0x0;
	_ =	swait.ge [sflag:s25], $0x800  }
.Ltmp5:
0x189: {  	[sflag:s25] =	ssyncset.done $0x0;
	(pc) =	sbr.rel @p3 .LBB2_5-.Ltmp5, $4  }
0x18a: {  	[sflag:s25] =	ssyncadd.s32 $0xFFFFF800  }
0x18b: {  	s12 =	smov.u32 s0;
	s10 =	smov.u32 s29;
	_ =	swait.ge [sflag:s25], $0x800  }
0x18c: {  	s11 =	smov.u32 s3;
	s3 =	sadd.s32 $0x1400, s3;
	[sflag:s25] =	ssyncset.done $0x0  }
0x18d: {  	s0 =	sadd.s32 $0x2, s0;
	s1 =	sadd.s32 $0xA000, s1;
	[sflag:s25] =	ssyncadd.s32 $0xFFFFF800  }
.Ltmp6:
0x18e: {  	_ = 	snop;
	(pc) =	sbr.rel .LBB2_6-.Ltmp6, $1  }
0x18f: {  	_ =	sdelay $0x3  }
.LBB2_8:
0x190: {  	_ =	sfence.sel $0x180000  }
0x191: {  	[bflag:$0x0] =	sbarrier.arrive $0xFFFF  }
0x192: {  	_ =	strace $0x90000047  }
0x193: {  	s0 =	stileid.u32;
	[bflag:$0x2] =	sbarrier.arrive $0xFFFF  }
0x194: {  	p0 =	sne.s32 s0, $0x0;
	s0 =	rddreg [dreg:$0x3]  }
0x195: {  	s0 =	sadd.s32 @!p0 $0x100000, s0  }
0x196: {  	[sflag:s0] =	ssyncadd.tile.s32 @!p0 $0x1;
	_ =	shalt  }
.Lfunc_end2:
_tile_overlayer_lowered:
.L_overlay_start_2:
0x197: {  	(tag) =	ssettag $0x2  }
0x198: {  	s0 =	rddreg [dreg:$0x0];
	s2 =	stileid.u32  }
0x199: {  	s1 =	rddreg [dreg:$0x1];
	p0 =	sne.s32 s2, $0x0  }
0x19a: {  	s3 =	rddreg [dreg:$0x2];
	[bflag:$0x3] =	sbarrier.arrive $0xFFFF;
	s2 =	simm.s32 @!p0 $0x1C07  }
0x19b: {  	[timem:s3], [sflag:s2] =	dma.local @!p0 [hbm:s0], s1  }
0x19c: {  	s0 =	simm.s32 @!p0 $0x7  }
0x19d: {  	_ =	swait.ge @!p0 [sflag:s0], s1  }
0x19e: {  	s1 =	ssub.s32 @!p0 $0x0, s1;
	[sflag:s0] =	ssyncset.done @!p0 $0x0  }
0x19f: {  	[sflag:s0] =	ssyncadd.s32 @!p0 s1  }
0x1a0: {  	[bflag:$0x3] =	sbarrier.arrive $0xFFFF  }
0x1a1: {  	_ =	shalt  }

</sc_bundles>
